<compile_context>
chip_gen: v7x
topology: tpu7x:2x2x1
jax: 0.10.2.dev20260603
libtpu: 0.0.44.dev20260713+nightly
codegen_flags: <defaults>
</compile_context>

<pallas_src>
import dataclasses
import functools

import jax
import jax.numpy as jnp
from jax import lax
from jax.experimental import pallas as pl
from jax.experimental.pallas import tpu as pltpu
from jax.experimental.pallas import tpu_sc as plsc

N = 10000
D = 128
P = 2
E = 320000

NC = 2
NS = 16
C = 112
T = 180
EPAD = NS * T * C

CR = 80
NCH = N // CR
KMAX = -(-NCH // NS)


def _sc_body(h_hbm, pk_hbm, agg_hbm, idxb, rows, acc, isem, gsem, g2sem, ssem):
    c = lax.axis_index("c")
    s = lax.axis_index("s")

    def issue_i(t, b):
        pltpu.async_copy(pk_hbm.at[c].at[s].at[t], idxb[b], isem[b])

    def wait_i(t, b):
        pltpu.make_async_copy(pk_hbm.at[c].at[s].at[t], idxb[b], isem[b]).wait()

    H = C // 2

    def issue_g(b):
        pltpu.async_copy(h_hbm.at[idxb[b].at[0, pl.ds(0, H)]],
                         rows[b].at[pl.ds(0, H)], gsem[b])
        pltpu.async_copy(h_hbm.at[idxb[b].at[0, pl.ds(H, H)]],
                         rows[b].at[pl.ds(H, H)], g2sem[b])

    def wait_g(b):
        pltpu.make_async_copy(h_hbm.at[idxb[b].at[0, pl.ds(0, H)]],
                              rows[b].at[pl.ds(0, H)], gsem[b]).wait()
        pltpu.make_async_copy(h_hbm.at[idxb[b].at[0, pl.ds(H, H)]],
                              rows[b].at[pl.ds(H, H)], g2sem[b]).wait()

    def issue_a(b):
        pltpu.async_copy(rows[b], acc.at[idxb[b].at[1]], ssem[b], add=True)

    def wait_a(b):
        pltpu.make_async_copy(rows[b], acc.at[idxb[b].at[1]], ssem[b]).wait()

    issue_i(0, 0)
    issue_i(1, 1)
    wait_i(0, 0)
    issue_g(0)

    zero = jnp.zeros((16,), jnp.float32)

    @pl.loop(0, CR)
    def _(r):
        for j in range(8):
            rows[2].at[r, pl.ds(16 * j, 16)][...] = zero

    @pl.loop(0, KMAX)
    def _(k):
        ch = k * NS + s

        @pl.when(ch < NCH)
        def _():
            pltpu.sync_copy(rows[2].at[pl.ds(0, CR)], acc.at[pl.ds(ch * CR, CR)])

    plsc.subcore_barrier()

    @pl.loop(0, T, step=3)
    def _(t0):
        for b in range(3):
            t = t0 + b
            bn = (b + 1) % 3
            bp = (b + 2) % 3

            @pl.when(t + 1 < T)
            def _():
                wait_i(t + 1, bn)
                issue_g(bn)

            wait_g(b)

            @plsc.parallel_loop(0, C, unroll=4)
            def _(e):
                w = plsc.load_gather(
                    idxb[b],
                    [jnp.full((16,), 2, jnp.int32), jnp.full((16,), e, jnp.int32)])
                w = plsc.bitcast(w, jnp.float32)
                for j in range(8):
                    slc = rows[b].at[e, pl.ds(16 * j, 16)]
                    slc[...] = slc[...] * w

            @pl.when(t >= 1)
            def _():
                wait_a(bp)

            @pl.when(t + 2 < T)
            def _():
                issue_i(t + 2, bp)

            issue_a(b)

    wait_a((T - 1) % 3)

    plsc.subcore_barrier()

    @pl.loop(0, KMAX)
    def _(k):
        ch = k * NS + s

        @pl.when(ch < NCH)
        def _():
            pltpu.sync_copy(acc.at[pl.ds(ch * CR, CR)], agg_hbm.at[c].at[pl.ds(ch * CR, CR)])


def _sc_aggregate(h, pk):
    mesh = plsc.VectorSubcoreMesh(core_axis_name="c", subcore_axis_name="s")
    cp = pltpu.CompilerParams()
    if "needs_layout_passes" in pltpu.CompilerParams.__dataclass_fields__:
        cp = dataclasses.replace(cp, needs_layout_passes=False)
    kfn = pl.kernel(
        _sc_body,
        out_type=jax.ShapeDtypeStruct((P, N, D), jnp.float32),
        mesh=mesh,
        compiler_params=cp,
        scratch_types=[
            [pltpu.VMEM((3, C), jnp.int32) for _ in range(3)],
            [pltpu.VMEM((C, D), jnp.float32) for _ in range(3)],
            pltpu.VMEM_SHARED((N, D), jnp.float32),
            [pltpu.SemaphoreType.DMA for _ in range(3)],
            [pltpu.SemaphoreType.DMA for _ in range(3)],
            [pltpu.SemaphoreType.DMA for _ in range(3)],
            [pltpu.SemaphoreType.DMA for _ in range(3)],
        ],
    )
    return kfn(h, pk)


def _tc_body(agg_ref, W0_ref, b0_ref, a0_ref, W1_ref, b1_ref, a1_ref,
             Wa_ref, ba_ref, att_ref, out_ref):
    cdims = (((1,), (1,)), ((), ()))

    def mm(x, w):
        return lax.dot_general(x, w, cdims, preferred_element_type=jnp.float32)

    e0 = mm(agg_ref[0], W0_ref[...]) + b0_ref[...]
    e0 = jnp.where(e0 > 0, e0, a0_ref[0, 0] * e0)
    e1 = mm(agg_ref[1], W1_ref[...]) + b1_ref[...]
    e1 = jnp.where(e1 > 0, e1, a1_ref[0, 0] * e1)

    t0 = jnp.tanh(mm(e0, Wa_ref[...]) + ba_ref[...])
    t1 = jnp.tanh(mm(e1, Wa_ref[...]) + ba_ref[...])
    sp0 = jnp.mean(t0, axis=0)
    sp1 = jnp.mean(t1, axis=0)
    l0 = jnp.sum(att_ref[0] * sp0)
    l1 = jnp.sum(att_ref[0] * sp1)
    m = jnp.maximum(l0, l1)
    w0 = jnp.exp(l0 - m)
    w1 = jnp.exp(l1 - m)
    inv = 1.0 / (w0 + w1)
    out_ref[...] = (w0 * inv) * e0 + (w1 * inv) * e1


def _tc_epilogue(agg, W0, b0, a0, W1, b1, a1, Wa, ba, att):
    return pl.pallas_call(
        _tc_body,
        out_shape=jax.ShapeDtypeStruct((N, D), jnp.float32),
    )(agg, W0, b0.reshape(1, D), a0.reshape(1, 1),
      W1, b1.reshape(1, D), a1.reshape(1, 1),
      Wa, ba.reshape(1, D), att)


def kernel(h, edge_index, edge_weight, W0, b0, a0, W1, b1, a1, Wa, ba, att):
    pad = EPAD - E
    src = jnp.concatenate(
        [edge_index[:, 0, :], jnp.zeros((P, pad), jnp.int32)], axis=1)
    dst = jnp.concatenate(
        [edge_index[:, 1, :], jnp.zeros((P, pad), jnp.int32)], axis=1)
    ewb = jnp.concatenate(
        [lax.bitcast_convert_type(edge_weight, jnp.int32),
         jnp.zeros((P, pad), jnp.int32)], axis=1)
    pk = jnp.stack([x.reshape(P, NS, T, C) for x in (src, dst, ewb)], axis=3)
    agg = _sc_aggregate(h, pk)
    return _tc_epilogue(agg, W0, b0, a0, W1, b1, a1, Wa, ba, att)

# --- scband reference (transcript-rebuilt; emitter-appended) ---
"""Pipeline reference for scband-mp-encoder-41437844471878 (READ-ONLY COPY).

The authoritative reference and input builder live on the scoring server;
editing this copy changes nothing except your own understanding.
"""

import jax, jax.numpy as jnp
import numpy as np

N = 10000
D = 128
P = 2
E = 320000


def setup_inputs(seed: int = 0) -> dict:
    key = jax.random.key(seed)
    ks = jax.random.split(key, 12)
    h = jax.random.normal(ks[0], (N, D), dtype=jnp.float32)
    edge_index = jax.random.randint(ks[1], (P, 2, E), 0, N, dtype=jnp.int32)
    edge_weight = jax.random.uniform(ks[2], (P, E), dtype=jnp.float32)
    # GCN params (fc has no bias in torch; separate additive bias param + PReLU slope)
    W0 = jax.random.normal(ks[3], (D, D), dtype=jnp.float32) * (1.414 / np.sqrt(D))
    b0 = jnp.zeros((D,), dtype=jnp.float32)
    a0 = jnp.array(0.25, dtype=jnp.float32)
    W1 = jax.random.normal(ks[4], (D, D), dtype=jnp.float32) * (1.414 / np.sqrt(D))
    b1 = jnp.zeros((D,), dtype=jnp.float32)
    a1 = jnp.array(0.25, dtype=jnp.float32)
    # Attention params
    Wa = jax.random.normal(ks[5], (D, D), dtype=jnp.float32) * (1.414 / np.sqrt(D))
    ba = jnp.zeros((D,), dtype=jnp.float32)
    att = jax.random.normal(ks[6], (1, D), dtype=jnp.float32) * (1.414 / np.sqrt(D))
    return {
        "h": h,
        "edge_index": edge_index,
        "edge_weight": edge_weight,
        "W0": W0, "b0": b0, "a0": a0,
        "W1": W1, "b1": b1, "a1": a1,
        "Wa": Wa, "ba": ba, "att": att,
    }


def _gcn(x, src, dst, ew, W, b, a):
    # seq_fts = fc(seq)
    s = x @ W.T
    # out = spmm(adj, seq_fts): gather from src, weight, scatter-add to dst
    msg = ew[:, None] * jnp.take(s, src, axis=0)
    out = jax.ops.segment_sum(msg, dst, num_segments=N)
    out = out + b
    # PReLU
    return jnp.where(out > 0, out, a * out)


def reference(h, edge_index, edge_weight, W0, b0, a0, W1, b1, a1, Wa, ba, att):
    Ws = [W0, W1]
    bs = [b0, b1]
    slopes = [a0, a1]
    embeds = []
    for i in range(P):
        src = edge_index[i, 0]
        dst = edge_index[i, 1]
        embeds.append(_gcn(h, src, dst, edge_weight[i], Ws[i], bs[i], slopes[i]))
    # semantic-level attention fusion (Attention.forward)
    betas = []
    for e in embeds:
        sp = jnp.tanh(e @ Wa.T + ba).mean(axis=0)  # [D]
        betas.append(jnp.sum(att[0] * sp))
    beta = jax.nn.softmax(jnp.stack(betas))
    z_mp = jnp.zeros_like(embeds[0])
    for i in range(P):
        z_mp = z_mp + embeds[i] * beta[i]
    return z_mp

if __name__ == "__main__":
    import jax
    _d = setup_inputs()
    print(jax.jit(kernel)(*tuple(_d.values())))

</pallas_src>

<mosaic_0001>
#map = affine_map<(d0, d1) -> (0, 0)>
#map1 = affine_map<(d0, d1) -> (0, 0, 0, 0, 0)>
#map2 = affine_map<(d0, d1) -> (0, 0, 0)>
module attributes {stable_mosaic.version = 14 : i64} {
  func.func @_sc_body(%arg0: i32, %arg1: i32, %arg2: memref<10000x128xf32, #tpu.memory_space<hbm>>, %arg3: memref<2x16x180x3x112xi32, #tpu.memory_space<hbm>>, %arg4: memref<2x10000x128xf32, #tpu.memory_space<hbm>>, %arg5: memref<3x112xi32, #tpu.memory_space<vmem>>, %arg6: memref<3x112xi32, #tpu.memory_space<vmem>>, %arg7: memref<3x112xi32, #tpu.memory_space<vmem>>, %arg8: memref<112x128xf32, #tpu.memory_space<vmem>>, %arg9: memref<112x128xf32, #tpu.memory_space<vmem>>, %arg10: memref<112x128xf32, #tpu.memory_space<vmem>>, %arg11: memref<10000x128xf32, #tpu.memory_space<vmem_shared>>, %arg12: memref<!tpu.dma_semaphore, #tpu.memory_space<semaphore_mem>>, %arg13: memref<!tpu.dma_semaphore, #tpu.memory_space<semaphore_mem>>, %arg14: memref<!tpu.dma_semaphore, #tpu.memory_space<semaphore_mem>>, %arg15: memref<!tpu.dma_semaphore, #tpu.memory_space<semaphore_mem>>, %arg16: memref<!tpu.dma_semaphore, #tpu.memory_space<semaphore_mem>>, %arg17: memref<!tpu.dma_semaphore, #tpu.memory_space<semaphore_mem>>, %arg18: memref<!tpu.dma_semaphore, #tpu.memory_space<semaphore_mem>>, %arg19: memref<!tpu.dma_semaphore, #tpu.memory_space<semaphore_mem>>, %arg20: memref<!tpu.dma_semaphore, #tpu.memory_space<semaphore_mem>>, %arg21: memref<!tpu.dma_semaphore, #tpu.memory_space<semaphore_mem>>, %arg22: memref<!tpu.dma_semaphore, #tpu.memory_space<semaphore_mem>>, %arg23: memref<!tpu.dma_semaphore, #tpu.memory_space<semaphore_mem>>) attributes {dimension_semantics = [#tpu.dimension_semantics<core_parallel>, #tpu.dimension_semantics<subcore_parallel>], iteration_bounds = array<i64: 2, 16>, scalar_prefetch = 0 : i64, scratch_operands = 19 : i64, tpu.core_type = #tpu.core_type<sc_vector_subcore>, window_params = [{transform_indices = #map}, {transform_indices = #map1}, {transform_indices = #map2}]} {
    %dma_start3A = arith.constant 0 : i32
    %dma_start3A_0 = arith.constant 0 : i32
    %dma_start3A_1 = arith.constant 0 : i32
    %dma_start3A_2 = arith.constant 0 : i32
    %dma_start3A_3 = arith.constant 0 : i32
    %dma_start3A_4 = tpu.memref_slice %arg3[%arg0, %dma_start3A_0, %dma_start3A_1, %dma_start3A_2, %dma_start3A_3] : memref<2x16x180x3x112xi32, #tpu.memory_space<hbm>> -> memref<1x16x180x3x112xi32, #tpu.memory_space<hbm>>
    %dma_start3A_5 = tpu.memref_squeeze %dma_start3A_4 : memref<1x16x180x3x112xi32, #tpu.memory_space<hbm>> -> memref<16x180x3x112xi32, #tpu.memory_space<hbm>>
    %dma_start3A_6 = arith.constant 0 : i32
    %dma_start3A_7 = arith.constant 0 : i32
    %dma_start3A_8 = arith.constant 0 : i32
    %dma_start3A_9 = tpu.memref_slice %dma_start3A_5[%arg1, %dma_start3A_6, %dma_start3A_7, %dma_start3A_8] : memref<16x180x3x112xi32, #tpu.memory_space<hbm>> -> memref<1x180x3x112xi32, #tpu.memory_space<hbm>>
    %dma_start3A_10 = tpu.memref_squeeze %dma_start3A_9 : memref<1x180x3x112xi32, #tpu.memory_space<hbm>> -> memref<180x3x112xi32, #tpu.memory_space<hbm>>
    %dma_start3A_11 = arith.constant 0 : i32
    %dma_start3A_12 = arith.constant 0 : i32
    %dma_start3A_13 = tpu.memref_slice %dma_start3A_10[%dma_start3A, %dma_start3A_11, %dma_start3A_12] : memref<180x3x112xi32, #tpu.memory_space<hbm>> -> memref<1x3x112xi32, #tpu.memory_space<hbm>>
    %dma_start3A_14 = tpu.memref_squeeze %dma_start3A_13 : memref<1x3x112xi32, #tpu.memory_space<hbm>> -> memref<3x112xi32, #tpu.memory_space<hbm>>
    %dma_start3A_15 = arith.constant 0 : i32
    %dma_start3A_16 = arith.constant 0 : i32
    %dma_start3A_17 = arith.constant 0 : i32
    %dma_start3A_18 = arith.constant 0 : i32
    %dma_start3A_19 = tpu.memref_slice %arg3[%arg0, %dma_start3A_15, %dma_start3A_16, %dma_start3A_17, %dma_start3A_18] : memref<2x16x180x3x112xi32, #tpu.memory_space<hbm>> -> memref<1x16x180x3x112xi32, #tpu.memory_space<hbm>>
    %dma_start3A_20 = tpu.memref_squeeze %dma_start3A_19 : memref<1x16x180x3x112xi32, #tpu.memory_space<hbm>> -> memref<16x180x3x112xi32, #tpu.memory_space<hbm>>
    %dma_start3A_21 = arith.constant 0 : i32
    %dma_start3A_22 = arith.constant 0 : i32
    %dma_start3A_23 = arith.constant 0 : i32
    %dma_start3A_24 = tpu.memref_slice %dma_start3A_20[%arg1, %dma_start3A_21, %dma_start3A_22, %dma_start3A_23] : memref<16x180x3x112xi32, #tpu.memory_space<hbm>> -> memref<1x180x3x112xi32, #tpu.memory_space<hbm>>
    %dma_start3A_25 = tpu.memref_squeeze %dma_start3A_24 : memref<1x180x3x112xi32, #tpu.memory_space<hbm>> -> memref<180x3x112xi32, #tpu.memory_space<hbm>>
    %dma_start3A_26 = arith.constant 0 : i32
    %dma_start3A_27 = arith.constant 0 : i32
    %dma_start3A_28 = tpu.memref_slice %dma_start3A_25[%dma_start3A, %dma_start3A_26, %dma_start3A_27] : memref<180x3x112xi32, #tpu.memory_space<hbm>> -> memref<1x3x112xi32, #tpu.memory_space<hbm>>
    %dma_start3A_29 = tpu.memref_squeeze %dma_start3A_28 : memref<1x3x112xi32, #tpu.memory_space<hbm>> -> memref<3x112xi32, #tpu.memory_space<hbm>>
    tpu.enqueue_dma source(%dma_start3A_29 : memref<3x112xi32, #tpu.memory_space<hbm>>) target(%arg5 : memref<3x112xi32, #tpu.memory_space<vmem>>) target_semaphore(%arg12 : memref<!tpu.dma_semaphore, #tpu.memory_space<semaphore_mem>>)
    %dma_start3A_30 = arith.constant 1 : i32
    %dma_start3A_31 = arith.constant 0 : i32
    %dma_start3A_32 = arith.constant 0 : i32
    %dma_start3A_33 = arith.constant 0 : i32
    %dma_start3A_34 = arith.constant 0 : i32
    %dma_start3A_35 = tpu.memref_slice %arg3[%arg0, %dma_start3A_31, %dma_start3A_32, %dma_start3A_33, %dma_start3A_34] : memref<2x16x180x3x112xi32, #tpu.memory_space<hbm>> -> memref<1x16x180x3x112xi32, #tpu.memory_space<hbm>>
    %dma_start3A_36 = tpu.memref_squeeze %dma_start3A_35 : memref<1x16x180x3x112xi32, #tpu.memory_space<hbm>> -> memref<16x180x3x112xi32, #tpu.memory_space<hbm>>
    %dma_start3A_37 = arith.constant 0 : i32
    %dma_start3A_38 = arith.constant 0 : i32
    %dma_start3A_39 = arith.constant 0 : i32
    %dma_start3A_40 = tpu.memref_slice %dma_start3A_36[%arg1, %dma_start3A_37, %dma_start3A_38, %dma_start3A_39] : memref<16x180x3x112xi32, #tpu.memory_space<hbm>> -> memref<1x180x3x112xi32, #tpu.memory_space<hbm>>
    %dma_start3A_41 = tpu.memref_squeeze %dma_start3A_40 : memref<1x180x3x112xi32, #tpu.memory_space<hbm>> -> memref<180x3x112xi32, #tpu.memory_space<hbm>>
    %dma_start3A_42 = arith.constant 0 : i32
    %dma_start3A_43 = arith.constant 0 : i32
    %dma_start3A_44 = tpu.memref_slice %dma_start3A_41[%dma_start3A_30, %dma_start3A_42, %dma_start3A_43] : memref<180x3x112xi32, #tpu.memory_space<hbm>> -> memref<1x3x112xi32, #tpu.memory_space<hbm>>
    %dma_start3A_45 = tpu.memref_squeeze %dma_start3A_44 : memref<1x3x112xi32, #tpu.memory_space<hbm>> -> memref<3x112xi32, #tpu.memory_space<hbm>>
    %dma_start3A_46 = arith.constant 0 : i32
    %dma_start3A_47 = arith.constant 0 : i32
    %dma_start3A_48 = arith.constant 0 : i32
    %dma_start3A_49 = arith.constant 0 : i32
    %dma_start3A_50 = tpu.memref_slice %arg3[%arg0, %dma_start3A_46, %dma_start3A_47, %dma_start3A_48, %dma_start3A_49] : memref<2x16x180x3x112xi32, #tpu.memory_space<hbm>> -> memref<1x16x180x3x112xi32, #tpu.memory_space<hbm>>
    %dma_start3A_51 = tpu.memref_squeeze %dma_start3A_50 : memref<1x16x180x3x112xi32, #tpu.memory_space<hbm>> -> memref<16x180x3x112xi32, #tpu.memory_space<hbm>>
    %dma_start3A_52 = arith.constant 0 : i32
    %dma_start3A_53 = arith.constant 0 : i32
    %dma_start3A_54 = arith.constant 0 : i32
    %dma_start3A_55 = tpu.memref_slice %dma_start3A_51[%arg1, %dma_start3A_52, %dma_start3A_53, %dma_start3A_54] : memref<16x180x3x112xi32, #tpu.memory_space<hbm>> -> memref<1x180x3x112xi32, #tpu.memory_space<hbm>>
    %dma_start3A_56 = tpu.memref_squeeze %dma_start3A_55 : memref<1x180x3x112xi32, #tpu.memory_space<hbm>> -> memref<180x3x112xi32, #tpu.memory_space<hbm>>
    %dma_start3A_57 = arith.constant 0 : i32
    %dma_start3A_58 = arith.constant 0 : i32
    %dma_start3A_59 = tpu.memref_slice %dma_start3A_56[%dma_start3A_30, %dma_start3A_57, %dma_start3A_58] : memref<180x3x112xi32, #tpu.memory_space<hbm>> -> memref<1x3x112xi32, #tpu.memory_space<hbm>>
    %dma_start3A_60 = tpu.memref_squeeze %dma_start3A_59 : memref<1x3x112xi32, #tpu.memory_space<hbm>> -> memref<3x112xi32, #tpu.memory_space<hbm>>
    tpu.enqueue_dma source(%dma_start3A_60 : memref<3x112xi32, #tpu.memory_space<hbm>>) target(%arg6 : memref<3x112xi32, #tpu.memory_space<vmem>>) target_semaphore(%arg13 : memref<!tpu.dma_semaphore, #tpu.memory_space<semaphore_mem>>)
    %dma_wait3A = arith.constant 0 : i32
    %dma_wait3A_61 = arith.constant 0 : i32
    %dma_wait3A_62 = arith.constant 0 : i32
    %dma_wait3A_63 = arith.constant 0 : i32
    %dma_wait3A_64 = arith.constant 0 : i32
    %dma_wait3A_65 = tpu.memref_slice %arg3[%arg0, %dma_wait3A_61, %dma_wait3A_62, %dma_wait3A_63, %dma_wait3A_64] : memref<2x16x180x3x112xi32, #tpu.memory_space<hbm>> -> memref<1x16x180x3x112xi32, #tpu.memory_space<hbm>>
    %dma_wait3A_66 = tpu.memref_squeeze %dma_wait3A_65 : memref<1x16x180x3x112xi32, #tpu.memory_space<hbm>> -> memref<16x180x3x112xi32, #tpu.memory_space<hbm>>
    %dma_wait3A_67 = arith.constant 0 : i32
    %dma_wait3A_68 = arith.constant 0 : i32
    %dma_wait3A_69 = arith.constant 0 : i32
    %dma_wait3A_70 = tpu.memref_slice %dma_wait3A_66[%arg1, %dma_wait3A_67, %dma_wait3A_68, %dma_wait3A_69] : memref<16x180x3x112xi32, #tpu.memory_space<hbm>> -> memref<1x180x3x112xi32, #tpu.memory_space<hbm>>
    %dma_wait3A_71 = tpu.memref_squeeze %dma_wait3A_70 : memref<1x180x3x112xi32, #tpu.memory_space<hbm>> -> memref<180x3x112xi32, #tpu.memory_space<hbm>>
    %dma_wait3A_72 = arith.constant 0 : i32
    %dma_wait3A_73 = arith.constant 0 : i32
    %dma_wait3A_74 = tpu.memref_slice %dma_wait3A_71[%dma_wait3A, %dma_wait3A_72, %dma_wait3A_73] : memref<180x3x112xi32, #tpu.memory_space<hbm>> -> memref<1x3x112xi32, #tpu.memory_space<hbm>>
    %dma_wait3A_75 = tpu.memref_squeeze %dma_wait3A_74 : memref<1x3x112xi32, #tpu.memory_space<hbm>> -> memref<3x112xi32, #tpu.memory_space<hbm>>
    %dma_wait3A_76 = arith.constant 0 : i32
    %dma_wait3A_77 = arith.constant 0 : i32
    %dma_wait3A_78 = arith.constant 0 : i32
    %dma_wait3A_79 = arith.constant 0 : i32
    %dma_wait3A_80 = tpu.memref_slice %arg3[%arg0, %dma_wait3A_76, %dma_wait3A_77, %dma_wait3A_78, %dma_wait3A_79] : memref<2x16x180x3x112xi32, #tpu.memory_space<hbm>> -> memref<1x16x180x3x112xi32, #tpu.memory_space<hbm>>
    %dma_wait3A_81 = tpu.memref_squeeze %dma_wait3A_80 : memref<1x16x180x3x112xi32, #tpu.memory_space<hbm>> -> memref<16x180x3x112xi32, #tpu.memory_space<hbm>>
    %dma_wait3A_82 = arith.constant 0 : i32
    %dma_wait3A_83 = arith.constant 0 : i32
    %dma_wait3A_84 = arith.constant 0 : i32
    %dma_wait3A_85 = tpu.memref_slice %dma_wait3A_81[%arg1, %dma_wait3A_82, %dma_wait3A_83, %dma_wait3A_84] : memref<16x180x3x112xi32, #tpu.memory_space<hbm>> -> memref<1x180x3x112xi32, #tpu.memory_space<hbm>>
    %dma_wait3A_86 = tpu.memref_squeeze %dma_wait3A_85 : memref<1x180x3x112xi32, #tpu.memory_space<hbm>> -> memref<180x3x112xi32, #tpu.memory_space<hbm>>
    %dma_wait3A_87 = arith.constant 0 : i32
    %dma_wait3A_88 = arith.constant 0 : i32
    %dma_wait3A_89 = tpu.memref_slice %dma_wait3A_86[%dma_wait3A, %dma_wait3A_87, %dma_wait3A_88] : memref<180x3x112xi32, #tpu.memory_space<hbm>> -> memref<1x3x112xi32, #tpu.memory_space<hbm>>
    %dma_wait3A_90 = tpu.memref_squeeze %dma_wait3A_89 : memref<1x3x112xi32, #tpu.memory_space<hbm>> -> memref<3x112xi32, #tpu.memory_space<hbm>>
    tpu.wait_dma2 semaphore(%arg12 : memref<!tpu.dma_semaphore, #tpu.memory_space<semaphore_mem>>) src(%dma_wait3A_90 : memref<3x112xi32, #tpu.memory_space<hbm>>) dst(%arg5 : memref<3x112xi32, #tpu.memory_space<vmem>>)
    %dma_start3A_91 = arith.constant 0 : i32
    %dma_start3A_92 = arith.constant 0 : i32
    %dma_start3A_93 = arith.constant 0 : i32
    %dma_start3A_94 = tpu.memref_slice %arg8[%dma_start3A_92, %dma_start3A_93] : memref<112x128xf32, #tpu.memory_space<vmem>> -> memref<56x128xf32, #tpu.memory_space<vmem>>
    %dma_start3A_95 = arith.constant 0 : i32
    %dma_start3A_96 = tpu.memref_slice %arg5[%dma_start3A_91, %dma_start3A_95] : memref<3x112xi32, #tpu.memory_space<vmem>> -> memref<1x56xi32, #tpu.memory_space<vmem>>
    %dma_start3A_97 = tpu.memref_squeeze %dma_start3A_96 : memref<1x56xi32, #tpu.memory_space<vmem>> -> memref<56xi32, #tpu.memory_space<vmem>>
    %dma_start3A_98 = arith.constant 0 : i32
    %dma_start3A_99 = arith.constant 0 : i32
    %dma_start3A_100 = tpu.memref_slice %arg2[%dma_start3A_98, %dma_start3A_99] : memref<10000x128xf32, #tpu.memory_space<hbm>> -> memref<10000x128xf32, #tpu.memory_space<hbm>>
    tpu.enqueue_indirect_dma source(%dma_start3A_100 : memref<10000x128xf32, #tpu.memory_space<hbm>>) target(%dma_start3A_94 : memref<56x128xf32, #tpu.memory_space<vmem>>) offsets(%dma_start3A_97 : memref<56xi32, #tpu.memory_space<vmem>>) semaphore(%arg15 : memref<!tpu.dma_semaphore, #tpu.memory_space<semaphore_mem>>)
    %dma_start3A_101 = arith.constant 0 : i32
    %dma_start3A_102 = arith.constant 56 : i32
    %dma_start3A_103 = arith.constant 0 : i32
    %dma_start3A_104 = tpu.memref_slice %arg8[%dma_start3A_102, %dma_start3A_103] : memref<112x128xf32, #tpu.memory_space<vmem>> -> memref<56x128xf32, #tpu.memory_space<vmem>>
    %dma_start3A_105 = arith.constant 56 : i32
    %dma_start3A_106 = tpu.memref_slice %arg5[%dma_start3A_101, %dma_start3A_105] : memref<3x112xi32, #tpu.memory_space<vmem>> -> memref<1x56xi32, #tpu.memory_space<vmem>>
    %dma_start3A_107 = tpu.memref_squeeze %dma_start3A_106 : memref<1x56xi32, #tpu.memory_space<vmem>> -> memref<56xi32, #tpu.memory_space<vmem>>
    %dma_start3A_108 = arith.constant 0 : i32
    %dma_start3A_109 = arith.constant 0 : i32
    %dma_start3A_110 = tpu.memref_slice %arg2[%dma_start3A_108, %dma_start3A_109] : memref<10000x128xf32, #tpu.memory_space<hbm>> -> memref<10000x128xf32, #tpu.memory_space<hbm>>
    tpu.enqueue_indirect_dma source(%dma_start3A_110 : memref<10000x128xf32, #tpu.memory_space<hbm>>) target(%dma_start3A_104 : memref<56x128xf32, #tpu.memory_space<vmem>>) offsets(%dma_start3A_107 : memref<56xi32, #tpu.memory_space<vmem>>) semaphore(%arg18 : memref<!tpu.dma_semaphore, #tpu.memory_space<semaphore_mem>>)
    %broadcast_in_dim3A = arith.constant 0.000000e+00 : f32
    %broadcast_in_dim3A_111 = vector.broadcast %broadcast_in_dim3A : f32 to vector<16xf32>
    %scan3A = arith.constant 0 : i32
    %scan3A_112 = arith.constant 80 : i32
    %scan3A_113 = arith.addi %scan3A, %scan3A_112 : i32
    %scan3A_114 = arith.constant 1 : i32
    scf.for %scan3A_139 = %scan3A to %scan3A_113 step %scan3A_114  : i32 {
      %mul3A = arith.constant 1 : i32
      %mul3A_140 = arith.muli %scan3A_139, %mul3A : i32
      %add3A = arith.constant 0 : i32
      %add3A_141 = arith.addi %add3A, %mul3A_140 : i32
      %swap3A = arith.index_cast %add3A_141 : i32 to index
      %swap3A_142 = arith.constant 0 : index
      %swap3A_143 = tpu.vector_load %arg10[%swap3A, %swap3A_142] {strides = array<i32>} : memref<112x128xf32, #tpu.memory_space<vmem>>, vector<16xf32>,
      tpu.vector_store %arg10[%swap3A, %swap3A_142], %broadcast_in_dim3A_111 {strides = array<i32>} : memref<112x128xf32, #tpu.memory_space<vmem>>, vector<16xf32>,
      %swap3A_144 = arith.index_cast %add3A_141 : i32 to index
      %swap3A_145 = arith.constant 16 : index
      %swap3A_146 = tpu.vector_load %arg10[%swap3A_144, %swap3A_145] {strides = array<i32>} : memref<112x128xf32, #tpu.memory_space<vmem>>, vector<16xf32>,
      tpu.vector_store %arg10[%swap3A_144, %swap3A_145], %broadcast_in_dim3A_111 {strides = array<i32>} : memref<112x128xf32, #tpu.memory_space<vmem>>, vector<16xf32>,
      %swap3A_147 = arith.index_cast %add3A_141 : i32 to index
      %swap3A_148 = arith.constant 32 : index
      %swap3A_149 = tpu.vector_load %arg10[%swap3A_147, %swap3A_148] {strides = array<i32>} : memref<112x128xf32, #tpu.memory_space<vmem>>, vector<16xf32>,
      tpu.vector_store %arg10[%swap3A_147, %swap3A_148], %broadcast_in_dim3A_111 {strides = array<i32>} : memref<112x128xf32, #tpu.memory_space<vmem>>, vector<16xf32>,
      %swap3A_150 = arith.index_cast %add3A_141 : i32 to index
      %swap3A_151 = arith.constant 48 : index
      %swap3A_152 = tpu.vector_load %arg10[%swap3A_150, %swap3A_151] {strides = array<i32>} : memref<112x128xf32, #tpu.memory_space<vmem>>, vector<16xf32>,
      tpu.vector_store %arg10[%swap3A_150, %swap3A_151], %broadcast_in_dim3A_111 {strides = array<i32>} : memref<112x128xf32, #tpu.memory_space<vmem>>, vector<16xf32>,
      %swap3A_153 = arith.index_cast %add3A_141 : i32 to index
      %swap3A_154 = arith.constant 64 : index
      %swap3A_155 = tpu.vector_load %arg10[%swap3A_153, %swap3A_154] {strides = array<i32>} : memref<112x128xf32, #tpu.memory_space<vmem>>, vector<16xf32>,
      tpu.vector_store %arg10[%swap3A_153, %swap3A_154], %broadcast_in_dim3A_111 {strides = array<i32>} : memref<112x128xf32, #tpu.memory_space<vmem>>, vector<16xf32>,
      %swap3A_156 = arith.index_cast %add3A_141 : i32 to index
      %swap3A_157 = arith.constant 80 : index
      %swap3A_158 = tpu.vector_load %arg10[%swap3A_156, %swap3A_157] {strides = array<i32>} : memref<112x128xf32, #tpu.memory_space<vmem>>, vector<16xf32>,
      tpu.vector_store %arg10[%swap3A_156, %swap3A_157], %broadcast_in_dim3A_111 {strides = array<i32>} : memref<112x128xf32, #tpu.memory_space<vmem>>, vector<16xf32>,
      %swap3A_159 = arith.index_cast %add3A_141 : i32 to index
      %swap3A_160 = arith.constant 96 : index
      %swap3A_161 = tpu.vector_load %arg10[%swap3A_159, %swap3A_160] {strides = array<i32>} : memref<112x128xf32, #tpu.memory_space<vmem>>, vector<16xf32>,
      tpu.vector_store %arg10[%swap3A_159, %swap3A_160], %broadcast_in_dim3A_111 {strides = array<i32>} : memref<112x128xf32, #tpu.memory_space<vmem>>, vector<16xf32>,
      %swap3A_162 = arith.index_cast %add3A_141 : i32 to index
      %swap3A_163 = arith.constant 112 : index
      %swap3A_164 = tpu.vector_load %arg10[%swap3A_162, %swap3A_163] {strides = array<i32>} : memref<112x128xf32, #tpu.memory_space<vmem>>, vector<16xf32>,
      tpu.vector_store %arg10[%swap3A_162, %swap3A_163], %broadcast_in_dim3A_111 {strides = array<i32>} : memref<112x128xf32, #tpu.memory_space<vmem>>, vector<16xf32>,
    }
    %scan3A_115 = arith.constant 80 : i32
    %scan3A_116 = arith.constant 0 : i32
    %scan3A_117 = arith.constant 8 : i32
    %scan3A_118 = arith.addi %scan3A_116, %scan3A_117 : i32
    %scan3A_119 = arith.constant 1 : i32
    scf.for %scan3A_139 = %scan3A_116 to %scan3A_118 step %scan3A_119  : i32 {
      %mul3A = arith.constant 1 : i32
      %mul3A_140 = arith.muli %scan3A_139, %mul3A : i32
      %add3A = arith.constant 0 : i32
      %add3A_141 = arith.addi %add3A, %mul3A_140 : i32
      %mul3A_142 = arith.constant 16 : i32
      %mul3A_143 = arith.muli %add3A_141, %mul3A_142 : i32
      %add3A_144 = arith.addi %mul3A_143, %arg1 : i32
      %lt3A = arith.constant 125 : i32
      %lt3A_145 = arith.cmpi slt, %add3A_144, %lt3A : i32
      %convert_element_type3A = arith.extui %lt3A_145 : i1 to i32
      %cond3A = arith.constant 0 : i32
      %cond3A_146 = arith.cmpi ne, %convert_element_type3A, %cond3A : i32
      scf.if %cond3A_146 {
        %mul3A_147 = arith.constant 80 : i32
        %mul3A_148 = arith.muli %add3A_144, %mul3A_147 : i32
        "tpu.region"() ({
          %run_scoped3A = tpu.sem_alloc : memref<!tpu.dma_semaphore, #tpu.memory_space<semaphore_mem>>
          %dma_start3A_149 = arith.constant 0 : i32
          %dma_start3A_150 = arith.constant 0 : i32
          %dma_start3A_151 = tpu.memref_slice %arg10[%dma_start3A_149, %dma_start3A_150] : memref<112x128xf32, #tpu.memory_space<vmem>> -> memref<80x128xf32, #tpu.memory_space<vmem>>
          %dma_start3A_152 = arith.constant 0 : i32
          %dma_start3A_153 = tpu.memref_slice %arg11[%mul3A_148, %dma_start3A_152] : memref<10000x128xf32, #tpu.memory_space<vmem_shared>> -> memref<80x128xf32, #tpu.memory_space<vmem_shared>>
          %dma_start3A_154 = arith.constant 0 : i32
          %dma_start3A_155 = tpu.memref_slice %arg11[%mul3A_148, %dma_start3A_154] : memref<10000x128xf32, #tpu.memory_space<vmem_shared>> -> memref<80x128xf32, #tpu.memory_space<vmem_shared>>
          %dma_start3A_156 = arith.constant 0 : i32
          %dma_start3A_157 = arith.constant 0 : i32
          %dma_start3A_158 = tpu.memref_slice %arg10[%dma_start3A_156, %dma_start3A_157] : memref<112x128xf32, #tpu.memory_space<vmem>> -> memref<80x128xf32, #tpu.memory_space<vmem>>
          tpu.enqueue_dma source(%dma_start3A_158 : memref<80x128xf32, #tpu.memory_space<vmem>>) target(%dma_start3A_155 : memref<80x128xf32, #tpu.memory_space<vmem_shared>>) target_semaphore(%run_scoped3A : memref<!tpu.dma_semaphore, #tpu.memory_space<semaphore_mem>>)
          %dma_wait3A_159 = arith.constant 0 : i32
          %dma_wait3A_160 = arith.constant 0 : i32
          %dma_wait3A_161 = tpu.memref_slice %arg10[%dma_wait3A_159, %dma_wait3A_160] : memref<112x128xf32, #tpu.memory_space<vmem>> -> memref<80x128xf32, #tpu.memory_space<vmem>>
          %dma_wait3A_162 = arith.constant 0 : i32
          %dma_wait3A_163 = tpu.memref_slice %arg11[%mul3A_148, %dma_wait3A_162] : memref<10000x128xf32, #tpu.memory_space<vmem_shared>> -> memref<80x128xf32, #tpu.memory_space<vmem_shared>>
          %dma_wait3A_164 = arith.constant 0 : i32
          %dma_wait3A_165 = tpu.memref_slice %arg11[%mul3A_148, %dma_wait3A_164] : memref<10000x128xf32, #tpu.memory_space<vmem_shared>> -> memref<80x128xf32, #tpu.memory_space<vmem_shared>>
          %dma_wait3A_166 = arith.constant 0 : i32
          %dma_wait3A_167 = arith.constant 0 : i32
          %dma_wait3A_168 = tpu.memref_slice %arg10[%dma_wait3A_166, %dma_wait3A_167] : memref<112x128xf32, #tpu.memory_space<vmem>> -> memref<80x128xf32, #tpu.memory_space<vmem>>
          tpu.wait_dma2 semaphore(%run_scoped3A : memref<!tpu.dma_semaphore, #tpu.memory_space<semaphore_mem>>) src(%dma_wait3A_168 : memref<80x128xf32, #tpu.memory_space<vmem>>) dst(%dma_wait3A_165 : memref<80x128xf32, #tpu.memory_space<vmem_shared>>)
          tpu.yield
        }) : () -> ()
      } else {
      }
    }
    %scan3A_120 = arith.constant 8 : i32
    %barrier3A = arith.constant 0 : index
    tpu.barrier barrier_id(%barrier3A)
    %scan3A_121 = arith.constant 0 : i32
    %scan3A_122 = arith.constant 60 : i32
    %scan3A_123 = arith.addi %scan3A_121, %scan3A_122 : i32
    %scan3A_124 = arith.constant 1 : i32
    scf.for %scan3A_139 = %scan3A_121 to %scan3A_123 step %scan3A_124  : i32 {
      %mul3A = arith.constant 3 : i32
      %mul3A_140 = arith.muli %scan3A_139, %mul3A : i32
      %add3A = arith.constant 0 : i32
      %add3A_141 = arith.addi %add3A, %mul3A_140 : i32
      %add3A_142 = arith.constant 0 : i32
      %add3A_143 = arith.addi %add3A_141, %add3A_142 : i32
      %add3A_144 = arith.constant 1 : i32
      %add3A_145 = arith.addi %add3A_143, %add3A_144 : i32
      %lt3A = arith.constant 180 : i32
      %lt3A_146 = arith.cmpi slt, %add3A_145, %lt3A : i32
      %convert_element_type3A = arith.extui %lt3A_146 : i1 to i32
      %cond3A = arith.constant 0 : i32
      %cond3A_147 = arith.cmpi ne, %convert_element_type3A, %cond3A : i32
      scf.if %cond3A_147 {
        %add3A_290 = arith.constant 1 : i32
        %add3A_291 = arith.addi %add3A_143, %add3A_290 : i32
        %dma_wait3A_292 = arith.constant 0 : i32
        %dma_wait3A_293 = arith.constant 0 : i32
        %dma_wait3A_294 = arith.constant 0 : i32
        %dma_wait3A_295 = arith.constant 0 : i32
        %dma_wait3A_296 = tpu.memref_slice %arg3[%arg0, %dma_wait3A_292, %dma_wait3A_293, %dma_wait3A_294, %dma_wait3A_295] : memref<2x16x180x3x112xi32, #tpu.memory_space<hbm>> -> memref<1x16x180x3x112xi32, #tpu.memory_space<hbm>>
        %dma_wait3A_297 = tpu.memref_squeeze %dma_wait3A_296 : memref<1x16x180x3x112xi32, #tpu.memory_space<hbm>> -> memref<16x180x3x112xi32, #tpu.memory_space<hbm>>
        %dma_wait3A_298 = arith.constant 0 : i32
        %dma_wait3A_299 = arith.constant 0 : i32
        %dma_wait3A_300 = arith.constant 0 : i32
        %dma_wait3A_301 = tpu.memref_slice %dma_wait3A_297[%arg1, %dma_wait3A_298, %dma_wait3A_299, %dma_wait3A_300] : memref<16x180x3x112xi32, #tpu.memory_space<hbm>> -> memref<1x180x3x112xi32, #tpu.memory_space<hbm>>
        %dma_wait3A_302 = tpu.memref_squeeze %dma_wait3A_301 : memref<1x180x3x112xi32, #tpu.memory_space<hbm>> -> memref<180x3x112xi32, #tpu.memory_space<hbm>>
        %dma_wait3A_303 = arith.constant 0 : i32
        %dma_wait3A_304 = arith.constant 0 : i32
        %dma_wait3A_305 = tpu.memref_slice %dma_wait3A_302[%add3A_291, %dma_wait3A_303, %dma_wait3A_304] : memref<180x3x112xi32, #tpu.memory_space<hbm>> -> memref<1x3x112xi32, #tpu.memory_space<hbm>>
        %dma_wait3A_306 = tpu.memref_squeeze %dma_wait3A_305 : memref<1x3x112xi32, #tpu.memory_space<hbm>> -> memref<3x112xi32, #tpu.memory_space<hbm>>
        %dma_wait3A_307 = arith.constant 0 : i32
        %dma_wait3A_308 = arith.constant 0 : i32
        %dma_wait3A_309 = arith.constant 0 : i32
        %dma_wait3A_310 = arith.constant 0 : i32
        %dma_wait3A_311 = tpu.memref_slice %arg3[%arg0, %dma_wait3A_307, %dma_wait3A_308, %dma_wait3A_309, %dma_wait3A_310] : memref<2x16x180x3x112xi32, #tpu.memory_space<hbm>> -> memref<1x16x180x3x112xi32, #tpu.memory_space<hbm>>
        %dma_wait3A_312 = tpu.memref_squeeze %dma_wait3A_311 : memref<1x16x180x3x112xi32, #tpu.memory_space<hbm>> -> memref<16x180x3x112xi32, #tpu.memory_space<hbm>>
        %dma_wait3A_313 = arith.constant 0 : i32
        %dma_wait3A_314 = arith.constant 0 : i32
        %dma_wait3A_315 = arith.constant 0 : i32
        %dma_wait3A_316 = tpu.memref_slice %dma_wait3A_312[%arg1, %dma_wait3A_313, %dma_wait3A_314, %dma_wait3A_315] : memref<16x180x3x112xi32, #tpu.memory_space<hbm>> -> memref<1x180x3x112xi32, #tpu.memory_space<hbm>>
        %dma_wait3A_317 = tpu.memref_squeeze %dma_wait3A_316 : memref<1x180x3x112xi32, #tpu.memory_space<hbm>> -> memref<180x3x112xi32, #tpu.memory_space<hbm>>
        %dma_wait3A_318 = arith.constant 0 : i32
        %dma_wait3A_319 = arith.constant 0 : i32
        %dma_wait3A_320 = tpu.memref_slice %dma_wait3A_317[%add3A_291, %dma_wait3A_318, %dma_wait3A_319] : memref<180x3x112xi32, #tpu.memory_space<hbm>> -> memref<1x3x112xi32, #tpu.memory_space<hbm>>
        %dma_wait3A_321 = tpu.memref_squeeze %dma_wait3A_320 : memref<1x3x112xi32, #tpu.memory_space<hbm>> -> memref<3x112xi32, #tpu.memory_space<hbm>>
        tpu.wait_dma2 semaphore(%arg13 : memref<!tpu.dma_semaphore, #tpu.memory_space<semaphore_mem>>) src(%dma_wait3A_321 : memref<3x112xi32, #tpu.memory_space<hbm>>) dst(%arg6 : memref<3x112xi32, #tpu.memory_space<vmem>>)
        %dma_start3A_322 = arith.constant 0 : i32
        %dma_start3A_323 = arith.constant 0 : i32
        %dma_start3A_324 = arith.constant 0 : i32
        %dma_start3A_325 = tpu.memref_slice %arg9[%dma_start3A_323, %dma_start3A_324] : memref<112x128xf32, #tpu.memory_space<vmem>> -> memref<56x128xf32, #tpu.memory_space<vmem>>
        %dma_start3A_326 = arith.constant 0 : i32
        %dma_start3A_327 = tpu.memref_slice %arg6[%dma_start3A_322, %dma_start3A_326] : memref<3x112xi32, #tpu.memory_space<vmem>> -> memref<1x56xi32, #tpu.memory_space<vmem>>
        %dma_start3A_328 = tpu.memref_squeeze %dma_start3A_327 : memref<1x56xi32, #tpu.memory_space<vmem>> -> memref<56xi32, #tpu.memory_space<vmem>>
        %dma_start3A_329 = arith.constant 0 : i32
        %dma_start3A_330 = arith.constant 0 : i32
        %dma_start3A_331 = tpu.memref_slice %arg2[%dma_start3A_329, %dma_start3A_330] : memref<10000x128xf32, #tpu.memory_space<hbm>> -> memref<10000x128xf32, #tpu.memory_space<hbm>>
        tpu.enqueue_indirect_dma source(%dma_start3A_331 : memref<10000x128xf32, #tpu.memory_space<hbm>>) target(%dma_start3A_325 : memref<56x128xf32, #tpu.memory_space<vmem>>) offsets(%dma_start3A_328 : memref<56xi32, #tpu.memory_space<vmem>>) semaphore(%arg16 : memref<!tpu.dma_semaphore, #tpu.memory_space<semaphore_mem>>)
        %dma_start3A_332 = arith.constant 0 : i32
        %dma_start3A_333 = arith.constant 56 : i32
        %dma_start3A_334 = arith.constant 0 : i32
        %dma_start3A_335 = tpu.memref_slice %arg9[%dma_start3A_333, %dma_start3A_334] : memref<112x128xf32, #tpu.memory_space<vmem>> -> memref<56x128xf32, #tpu.memory_space<vmem>>
        %dma_start3A_336 = arith.constant 56 : i32
        %dma_start3A_337 = tpu.memref_slice %arg6[%dma_start3A_332, %dma_start3A_336] : memref<3x112xi32, #tpu.memory_space<vmem>> -> memref<1x56xi32, #tpu.memory_space<vmem>>
        %dma_start3A_338 = tpu.memref_squeeze %dma_start3A_337 : memref<1x56xi32, #tpu.memory_space<vmem>> -> memref<56xi32, #tpu.memory_space<vmem>>
        %dma_start3A_339 = arith.constant 0 : i32
        %dma_start3A_340 = arith.constant 0 : i32
        %dma_start3A_341 = tpu.memref_slice %arg2[%dma_start3A_339, %dma_start3A_340] : memref<10000x128xf32, #tpu.memory_space<hbm>> -> memref<10000x128xf32, #tpu.memory_space<hbm>>
        tpu.enqueue_indirect_dma source(%dma_start3A_341 : memref<10000x128xf32, #tpu.memory_space<hbm>>) target(%dma_start3A_335 : memref<56x128xf32, #tpu.memory_space<vmem>>) offsets(%dma_start3A_338 : memref<56xi32, #tpu.memory_space<vmem>>) semaphore(%arg19 : memref<!tpu.dma_semaphore, #tpu.memory_space<semaphore_mem>>)
      } else {
      }
      %dma_wait3A_148 = arith.constant 0 : i32
      %dma_wait3A_149 = arith.constant 0 : i32
      %dma_wait3A_150 = arith.constant 0 : i32
      %dma_wait3A_151 = tpu.memref_slice %arg8[%dma_wait3A_149, %dma_wait3A_150] : memref<112x128xf32, #tpu.memory_space<vmem>> -> memref<56x128xf32, #tpu.memory_space<vmem>>
      %dma_wait3A_152 = arith.constant 0 : i32
      %dma_wait3A_153 = tpu.memref_slice %arg5[%dma_wait3A_148, %dma_wait3A_152] : memref<3x112xi32, #tpu.memory_space<vmem>> -> memref<1x56xi32, #tpu.memory_space<vmem>>
      %dma_wait3A_154 = tpu.memref_squeeze %dma_wait3A_153 : memref<1x56xi32, #tpu.memory_space<vmem>> -> memref<56xi32, #tpu.memory_space<vmem>>
      %dma_wait3A_155 = arith.constant 0 : i32
      %dma_wait3A_156 = arith.constant 0 : i32
      %dma_wait3A_157 = tpu.memref_slice %arg2[%dma_wait3A_155, %dma_wait3A_156] : memref<10000x128xf32, #tpu.memory_space<hbm>> -> memref<10000x128xf32, #tpu.memory_space<hbm>>
      tpu.wait_indirect_dma semaphore(%arg15 : memref<!tpu.dma_semaphore, #tpu.memory_space<semaphore_mem>>) src(%dma_wait3A_157 : memref<10000x128xf32, #tpu.memory_space<hbm>>) dst(%dma_wait3A_151 : memref<56x128xf32, #tpu.memory_space<vmem>>)
      %dma_wait3A_158 = arith.constant 0 : i32
      %dma_wait3A_159 = arith.constant 56 : i32
      %dma_wait3A_160 = arith.constant 0 : i32
      %dma_wait3A_161 = tpu.memref_slice %arg8[%dma_wait3A_159, %dma_wait3A_160] : memref<112x128xf32, #tpu.memory_space<vmem>> -> memref<56x128xf32, #tpu.memory_space<vmem>>
      %dma_wait3A_162 = arith.constant 56 : i32
      %dma_wait3A_163 = tpu.memref_slice %arg5[%dma_wait3A_158, %dma_wait3A_162] : memref<3x112xi32, #tpu.memory_space<vmem>> -> memref<1x56xi32, #tpu.memory_space<vmem>>
      %dma_wait3A_164 = tpu.memref_squeeze %dma_wait3A_163 : memref<1x56xi32, #tpu.memory_space<vmem>> -> memref<56xi32, #tpu.memory_space<vmem>>
      %dma_wait3A_165 = arith.constant 0 : i32
      %dma_wait3A_166 = arith.constant 0 : i32
      %dma_wait3A_167 = tpu.memref_slice %arg2[%dma_wait3A_165, %dma_wait3A_166] : memref<10000x128xf32, #tpu.memory_space<hbm>> -> memref<10000x128xf32, #tpu.memory_space<hbm>>
      tpu.wait_indirect_dma semaphore(%arg18 : memref<!tpu.dma_semaphore, #tpu.memory_space<semaphore_mem>>) src(%dma_wait3A_167 : memref<10000x128xf32, #tpu.memory_space<hbm>>) dst(%dma_wait3A_161 : memref<56x128xf32, #tpu.memory_space<vmem>>)
      %parallel_loop3A = arith.constant 0 : i32
      %parallel_loop3A_168 = arith.constant 112 : i32
      %parallel_loop3A_169 = arith.constant 1 : i32
      scf.for %parallel_loop3A_290 = %parallel_loop3A to %parallel_loop3A_168 step %parallel_loop3A_169  : i32 {
        %parallel_loop3A_291 = arith.constant 2 : i32
        %parallel_loop3A_292 = vector.broadcast %parallel_loop3A_291 : i32 to vector<16xi32>
        %parallel_loop3A_293 = vector.broadcast %parallel_loop3A_290 : i32 to vector<16xi32>
        %parallel_loop3A_294 = tpu.vector_load_idx %arg5[%parallel_loop3A_292, %parallel_loop3A_293] : memref<3x112xi32, #tpu.memory_space<vmem>>[vector<16xi32>, vector<16xi32>], vector<16xi32>,
        %parallel_loop3A_295 = vector.bitcast %parallel_loop3A_294 : vector<16xi32> to vector<16xf32>
        %parallel_loop3A_296 = arith.index_cast %parallel_loop3A_290 : i32 to index
        %parallel_loop3A_297 = arith.constant 0 : index
        %parallel_loop3A_298 = tpu.vector_load %arg8[%parallel_loop3A_296, %parallel_loop3A_297] {strides = array<i32>} : memref<112x128xf32, #tpu.memory_space<vmem>>, vector<16xf32>,
        %parallel_loop3A_299 = arith.mulf %parallel_loop3A_298, %parallel_loop3A_295 : vector<16xf32>
        %parallel_loop3A_300 = arith.index_cast %parallel_loop3A_290 : i32 to index
        %parallel_loop3A_301 = arith.constant 0 : index
        %parallel_loop3A_302 = tpu.vector_load %arg8[%parallel_loop3A_300, %parallel_loop3A_301] {strides = array<i32>} : memref<112x128xf32, #tpu.memory_space<vmem>>, vector<16xf32>,
        tpu.vector_store %arg8[%parallel_loop3A_300, %parallel_loop3A_301], %parallel_loop3A_299 {strides = array<i32>} : memref<112x128xf32, #tpu.memory_space<vmem>>, vector<16xf32>,
        %parallel_loop3A_303 = arith.index_cast %parallel_loop3A_290 : i32 to index
        %parallel_loop3A_304 = arith.constant 16 : index
        %parallel_loop3A_305 = tpu.vector_load %arg8[%parallel_loop3A_303, %parallel_loop3A_304] {strides = array<i32>} : memref<112x128xf32, #tpu.memory_space<vmem>>, vector<16xf32>,
        %parallel_loop3A_306 = arith.mulf %parallel_loop3A_305, %parallel_loop3A_295 : vector<16xf32>
        %parallel_loop3A_307 = arith.index_cast %parallel_loop3A_290 : i32 to index
        %parallel_loop3A_308 = arith.constant 16 : index
        %parallel_loop3A_309 = tpu.vector_load %arg8[%parallel_loop3A_307, %parallel_loop3A_308] {strides = array<i32>} : memref<112x128xf32, #tpu.memory_space<vmem>>, vector<16xf32>,
        tpu.vector_store %arg8[%parallel_loop3A_307, %parallel_loop3A_308], %parallel_loop3A_306 {strides = array<i32>} : memref<112x128xf32, #tpu.memory_space<vmem>>, vector<16xf32>,
        %parallel_loop3A_310 = arith.index_cast %parallel_loop3A_290 : i32 to index
        %parallel_loop3A_311 = arith.constant 32 : index
        %parallel_loop3A_312 = tpu.vector_load %arg8[%parallel_loop3A_310, %parallel_loop3A_311] {strides = array<i32>} : memref<112x128xf32, #tpu.memory_space<vmem>>, vector<16xf32>,
        %parallel_loop3A_313 = arith.mulf %parallel_loop3A_312, %parallel_loop3A_295 : vector<16xf32>
        %parallel_loop3A_314 = arith.index_cast %parallel_loop3A_290 : i32 to index
        %parallel_loop3A_315 = arith.constant 32 : index
        %parallel_loop3A_316 = tpu.vector_load %arg8[%parallel_loop3A_314, %parallel_loop3A_315] {strides = array<i32>} : memref<112x128xf32, #tpu.memory_space<vmem>>, vector<16xf32>,
        tpu.vector_store %arg8[%parallel_loop3A_314, %parallel_loop3A_315], %parallel_loop3A_313 {strides = array<i32>} : memref<112x128xf32, #tpu.memory_space<vmem>>, vector<16xf32>,
        %parallel_loop3A_317 = arith.index_cast %parallel_loop3A_290 : i32 to index
        %parallel_loop3A_318 = arith.constant 48 : index
        %parallel_loop3A_319 = tpu.vector_load %arg8[%parallel_loop3A_317, %parallel_loop3A_318] {strides = array<i32>} : memref<112x128xf32, #tpu.memory_space<vmem>>, vector<16xf32>,
        %parallel_loop3A_320 = arith.mulf %parallel_loop3A_319, %parallel_loop3A_295 : vector<16xf32>
        %parallel_loop3A_321 = arith.index_cast %parallel_loop3A_290 : i32 to index
        %parallel_loop3A_322 = arith.constant 48 : index
        %parallel_loop3A_323 = tpu.vector_load %arg8[%parallel_loop3A_321, %parallel_loop3A_322] {strides = array<i32>} : memref<112x128xf32, #tpu.memory_space<vmem>>, vector<16xf32>,
        tpu.vector_store %arg8[%parallel_loop3A_321, %parallel_loop3A_322], %parallel_loop3A_320 {strides = array<i32>} : memref<112x128xf32, #tpu.memory_space<vmem>>, vector<16xf32>,
        %parallel_loop3A_324 = arith.index_cast %parallel_loop3A_290 : i32 to index
        %parallel_loop3A_325 = arith.constant 64 : index
        %parallel_loop3A_326 = tpu.vector_load %arg8[%parallel_loop3A_324, %parallel_loop3A_325] {strides = array<i32>} : memref<112x128xf32, #tpu.memory_space<vmem>>, vector<16xf32>,
        %parallel_loop3A_327 = arith.mulf %parallel_loop3A_326, %parallel_loop3A_295 : vector<16xf32>
        %parallel_loop3A_328 = arith.index_cast %parallel_loop3A_290 : i32 to index
        %parallel_loop3A_329 = arith.constant 64 : index
        %parallel_loop3A_330 = tpu.vector_load %arg8[%parallel_loop3A_328, %parallel_loop3A_329] {strides = array<i32>} : memref<112x128xf32, #tpu.memory_space<vmem>>, vector<16xf32>,
        tpu.vector_store %arg8[%parallel_loop3A_328, %parallel_loop3A_329], %parallel_loop3A_327 {strides = array<i32>} : memref<112x128xf32, #tpu.memory_space<vmem>>, vector<16xf32>,
        %parallel_loop3A_331 = arith.index_cast %parallel_loop3A_290 : i32 to index
        %parallel_loop3A_332 = arith.constant 80 : index
        %parallel_loop3A_333 = tpu.vector_load %arg8[%parallel_loop3A_331, %parallel_loop3A_332] {strides = array<i32>} : memref<112x128xf32, #tpu.memory_space<vmem>>, vector<16xf32>,
        %parallel_loop3A_334 = arith.mulf %parallel_loop3A_333, %parallel_loop3A_295 : vector<16xf32>
        %parallel_loop3A_335 = arith.index_cast %parallel_loop3A_290 : i32 to index
        %parallel_loop3A_336 = arith.constant 80 : index
        %parallel_loop3A_337 = tpu.vector_load %arg8[%parallel_loop3A_335, %parallel_loop3A_336] {strides = array<i32>} : memref<112x128xf32, #tpu.memory_space<vmem>>, vector<16xf32>,
        tpu.vector_store %arg8[%parallel_loop3A_335, %parallel_loop3A_336], %parallel_loop3A_334 {strides = array<i32>} : memref<112x128xf32, #tpu.memory_space<vmem>>, vector<16xf32>,
        %parallel_loop3A_338 = arith.index_cast %parallel_loop3A_290 : i32 to index
        %parallel_loop3A_339 = arith.constant 96 : index
        %parallel_loop3A_340 = tpu.vector_load %arg8[%parallel_loop3A_338, %parallel_loop3A_339] {strides = array<i32>} : memref<112x128xf32, #tpu.memory_space<vmem>>, vector<16xf32>,
        %parallel_loop3A_341 = arith.mulf %parallel_loop3A_340, %parallel_loop3A_295 : vector<16xf32>
        %parallel_loop3A_342 = arith.index_cast %parallel_loop3A_290 : i32 to index
        %parallel_loop3A_343 = arith.constant 96 : index
        %parallel_loop3A_344 = tpu.vector_load %arg8[%parallel_loop3A_342, %parallel_loop3A_343] {strides = array<i32>} : memref<112x128xf32, #tpu.memory_space<vmem>>, vector<16xf32>,
        tpu.vector_store %arg8[%parallel_loop3A_342, %parallel_loop3A_343], %parallel_loop3A_341 {strides = array<i32>} : memref<112x128xf32, #tpu.memory_space<vmem>>, vector<16xf32>,
        %parallel_loop3A_345 = arith.index_cast %parallel_loop3A_290 : i32 to index
        %parallel_loop3A_346 = arith.constant 112 : index
        %parallel_loop3A_347 = tpu.vector_load %arg8[%parallel_loop3A_345, %parallel_loop3A_346] {strides = array<i32>} : memref<112x128xf32, #tpu.memory_space<vmem>>, vector<16xf32>,
        %parallel_loop3A_348 = arith.mulf %parallel_loop3A_347, %parallel_loop3A_295 : vector<16xf32>
        %parallel_loop3A_349 = arith.index_cast %parallel_loop3A_290 : i32 to index
        %parallel_loop3A_350 = arith.constant 112 : index
        %parallel_loop3A_351 = tpu.vector_load %arg8[%parallel_loop3A_349, %parallel_loop3A_350] {strides = array<i32>} : memref<112x128xf32, #tpu.memory_space<vmem>>, vector<16xf32>,
        tpu.vector_store %arg8[%parallel_loop3A_349, %parallel_loop3A_350], %parallel_loop3A_348 {strides = array<i32>} : memref<112x128xf32, #tpu.memory_space<vmem>>, vector<16xf32>,
      } {sc.loop_unroll_factor = 4 : i64, sc.parallel_access}
      %ge3A = arith.constant 1 : i32
      %ge3A_170 = arith.cmpi sge, %add3A_143, %ge3A : i32
      %convert_element_type3A_171 = arith.extui %ge3A_170 : i1 to i32
      %cond3A_172 = arith.constant 0 : i32
      %cond3A_173 = arith.cmpi ne, %convert_element_type3A_171, %cond3A_172 : i32
      scf.if %cond3A_173 {
        %dma_wait3A_290 = arith.constant 1 : i32
        %dma_wait3A_291 = arith.constant 0 : i32
        %dma_wait3A_292 = tpu.memref_slice %arg7[%dma_wait3A_290, %dma_wait3A_291] : memref<3x112xi32, #tpu.memory_space<vmem>> -> memref<1x112xi32, #tpu.memory_space<vmem>>
        %dma_wait3A_293 = tpu.memref_squeeze %dma_wait3A_292 : memref<1x112xi32, #tpu.memory_space<vmem>> -> memref<112xi32, #tpu.memory_space<vmem>>
        %dma_wait3A_294 = arith.constant 0 : i32
        %dma_wait3A_295 = arith.constant 0 : i32
        %dma_wait3A_296 = tpu.memref_slice %arg11[%dma_wait3A_294, %dma_wait3A_295] : memref<10000x128xf32, #tpu.memory_space<vmem_shared>> -> memref<10000x128xf32, #tpu.memory_space<vmem_shared>>
        tpu.wait_indirect_dma semaphore(%arg23 : memref<!tpu.dma_semaphore, #tpu.memory_space<semaphore_mem>>) src(%arg10 : memref<112x128xf32, #tpu.memory_space<vmem>>) dst(%dma_wait3A_296 : memref<10000x128xf32, #tpu.memory_space<vmem_shared>>)
      } else {
      }
      %add3A_174 = arith.constant 2 : i32
      %add3A_175 = arith.addi %add3A_143, %add3A_174 : i32
      %lt3A_176 = arith.constant 180 : i32
      %lt3A_177 = arith.cmpi slt, %add3A_175, %lt3A_176 : i32
      %convert_element_type3A_178 = arith.extui %lt3A_177 : i1 to i32
      %cond3A_179 = arith.constant 0 : i32
      %cond3A_180 = arith.cmpi ne, %convert_element_type3A_178, %cond3A_179 : i32
      scf.if %cond3A_180 {
        %add3A_290 = arith.constant 2 : i32
        %add3A_291 = arith.addi %add3A_143, %add3A_290 : i32
        %dma_start3A_292 = arith.constant 0 : i32
        %dma_start3A_293 = arith.constant 0 : i32
        %dma_start3A_294 = arith.constant 0 : i32
        %dma_start3A_295 = arith.constant 0 : i32
        %dma_start3A_296 = tpu.memref_slice %arg3[%arg0, %dma_start3A_292, %dma_start3A_293, %dma_start3A_294, %dma_start3A_295] : memref<2x16x180x3x112xi32, #tpu.memory_space<hbm>> -> memref<1x16x180x3x112xi32, #tpu.memory_space<hbm>>
        %dma_start3A_297 = tpu.memref_squeeze %dma_start3A_296 : memref<1x16x180x3x112xi32, #tpu.memory_space<hbm>> -> memref<16x180x3x112xi32, #tpu.memory_space<hbm>>
        %dma_start3A_298 = arith.constant 0 : i32
        %dma_start3A_299 = arith.constant 0 : i32
        %dma_start3A_300 = arith.constant 0 : i32
        %dma_start3A_301 = tpu.memref_slice %dma_start3A_297[%arg1, %dma_start3A_298, %dma_start3A_299, %dma_start3A_300] : memref<16x180x3x112xi32, #tpu.memory_space<hbm>> -> memref<1x180x3x112xi32, #tpu.memory_space<hbm>>
        %dma_start3A_302 = tpu.memref_squeeze %dma_start3A_301 : memref<1x180x3x112xi32, #tpu.memory_space<hbm>> -> memref<180x3x112xi32, #tpu.memory_space<hbm>>
        %dma_start3A_303 = arith.constant 0 : i32
        %dma_start3A_304 = arith.constant 0 : i32
        %dma_start3A_305 = tpu.memref_slice %dma_start3A_302[%add3A_291, %dma_start3A_303, %dma_start3A_304] : memref<180x3x112xi32, #tpu.memory_space<hbm>> -> memref<1x3x112xi32, #tpu.memory_space<hbm>>
        %dma_start3A_306 = tpu.memref_squeeze %dma_start3A_305 : memref<1x3x112xi32, #tpu.memory_space<hbm>> -> memref<3x112xi32, #tpu.memory_space<hbm>>
        %dma_start3A_307 = arith.constant 0 : i32
        %dma_start3A_308 = arith.constant 0 : i32
        %dma_start3A_309 = arith.constant 0 : i32
        %dma_start3A_310 = arith.constant 0 : i32
        %dma_start3A_311 = tpu.memref_slice %arg3[%arg0, %dma_start3A_307, %dma_start3A_308, %dma_start3A_309, %dma_start3A_310] : memref<2x16x180x3x112xi32, #tpu.memory_space<hbm>> -> memref<1x16x180x3x112xi32, #tpu.memory_space<hbm>>
        %dma_start3A_312 = tpu.memref_squeeze %dma_start3A_311 : memref<1x16x180x3x112xi32, #tpu.memory_space<hbm>> -> memref<16x180x3x112xi32, #tpu.memory_space<hbm>>
        %dma_start3A_313 = arith.constant 0 : i32
        %dma_start3A_314 = arith.constant 0 : i32
        %dma_start3A_315 = arith.constant 0 : i32
        %dma_start3A_316 = tpu.memref_slice %dma_start3A_312[%arg1, %dma_start3A_313, %dma_start3A_314, %dma_start3A_315] : memref<16x180x3x112xi32, #tpu.memory_space<hbm>> -> memref<1x180x3x112xi32, #tpu.memory_space<hbm>>
        %dma_start3A_317 = tpu.memref_squeeze %dma_start3A_316 : memref<1x180x3x112xi32, #tpu.memory_space<hbm>> -> memref<180x3x112xi32, #tpu.memory_space<hbm>>
        %dma_start3A_318 = arith.constant 0 : i32
        %dma_start3A_319 = arith.constant 0 : i32
        %dma_start3A_320 = tpu.memref_slice %dma_start3A_317[%add3A_291, %dma_start3A_318, %dma_start3A_319] : memref<180x3x112xi32, #tpu.memory_space<hbm>> -> memref<1x3x112xi32, #tpu.memory_space<hbm>>
        %dma_start3A_321 = tpu.memref_squeeze %dma_start3A_320 : memref<1x3x112xi32, #tpu.memory_space<hbm>> -> memref<3x112xi32, #tpu.memory_space<hbm>>
        tpu.enqueue_dma source(%dma_start3A_321 : memref<3x112xi32, #tpu.memory_space<hbm>>) target(%arg7 : memref<3x112xi32, #tpu.memory_space<vmem>>) target_semaphore(%arg14 : memref<!tpu.dma_semaphore, #tpu.memory_space<semaphore_mem>>)
      } else {
      }
      %dma_start3A_181 = arith.constant 1 : i32
      %dma_start3A_182 = arith.constant 0 : i32
      %dma_start3A_183 = tpu.memref_slice %arg5[%dma_start3A_181, %dma_start3A_182] : memref<3x112xi32, #tpu.memory_space<vmem>> -> memref<1x112xi32, #tpu.memory_space<vmem>>
      %dma_start3A_184 = tpu.memref_squeeze %dma_start3A_183 : memref<1x112xi32, #tpu.memory_space<vmem>> -> memref<112xi32, #tpu.memory_space<vmem>>
      %dma_start3A_185 = arith.constant 0 : i32
      %dma_start3A_186 = arith.constant 0 : i32
      %dma_start3A_187 = tpu.memref_slice %arg11[%dma_start3A_185, %dma_start3A_186] : memref<10000x128xf32, #tpu.memory_space<vmem_shared>> -> memref<10000x128xf32, #tpu.memory_space<vmem_shared>>
      tpu.enqueue_indirect_dma source(%arg8 : memref<112x128xf32, #tpu.memory_space<vmem>>) target(%dma_start3A_187 : memref<10000x128xf32, #tpu.memory_space<vmem_shared>>) offsets(%dma_start3A_184 : memref<112xi32, #tpu.memory_space<vmem>>) semaphore(%arg21 : memref<!tpu.dma_semaphore, #tpu.memory_space<semaphore_mem>>) {add = true}
      %add3A_188 = arith.constant 1 : i32
      %add3A_189 = arith.addi %add3A_141, %add3A_188 : i32
      %add3A_190 = arith.constant 1 : i32
      %add3A_191 = arith.addi %add3A_189, %add3A_190 : i32
      %lt3A_192 = arith.constant 180 : i32
      %lt3A_193 = arith.cmpi slt, %add3A_191, %lt3A_192 : i32
      %convert_element_type3A_194 = arith.extui %lt3A_193 : i1 to i32
      %cond3A_195 = arith.constant 0 : i32
      %cond3A_196 = arith.cmpi ne, %convert_element_type3A_194, %cond3A_195 : i32
      scf.if %cond3A_196 {
        %add3A_290 = arith.constant 1 : i32
        %add3A_291 = arith.addi %add3A_189, %add3A_290 : i32
        %dma_wait3A_292 = arith.constant 0 : i32
        %dma_wait3A_293 = arith.constant 0 : i32
        %dma_wait3A_294 = arith.constant 0 : i32
        %dma_wait3A_295 = arith.constant 0 : i32
        %dma_wait3A_296 = tpu.memref_slice %arg3[%arg0, %dma_wait3A_292, %dma_wait3A_293, %dma_wait3A_294, %dma_wait3A_295] : memref<2x16x180x3x112xi32, #tpu.memory_space<hbm>> -> memref<1x16x180x3x112xi32, #tpu.memory_space<hbm>>
        %dma_wait3A_297 = tpu.memref_squeeze %dma_wait3A_296 : memref<1x16x180x3x112xi32, #tpu.memory_space<hbm>> -> memref<16x180x3x112xi32, #tpu.memory_space<hbm>>
        %dma_wait3A_298 = arith.constant 0 : i32
        %dma_wait3A_299 = arith.constant 0 : i32
        %dma_wait3A_300 = arith.constant 0 : i32
        %dma_wait3A_301 = tpu.memref_slice %dma_wait3A_297[%arg1, %dma_wait3A_298, %dma_wait3A_299, %dma_wait3A_300] : memref<16x180x3x112xi32, #tpu.memory_space<hbm>> -> memref<1x180x3x112xi32, #tpu.memory_space<hbm>>
        %dma_wait3A_302 = tpu.memref_squeeze %dma_wait3A_301 : memref<1x180x3x112xi32, #tpu.memory_space<hbm>> -> memref<180x3x112xi32, #tpu.memory_space<hbm>>
        %dma_wait3A_303 = arith.constant 0 : i32
        %dma_wait3A_304 = arith.constant 0 : i32
        %dma_wait3A_305 = tpu.memref_slice %dma_wait3A_302[%add3A_291, %dma_wait3A_303, %dma_wait3A_304] : memref<180x3x112xi32, #tpu.memory_space<hbm>> -> memref<1x3x112xi32, #tpu.memory_space<hbm>>
        %dma_wait3A_306 = tpu.memref_squeeze %dma_wait3A_305 : memref<1x3x112xi32, #tpu.memory_space<hbm>> -> memref<3x112xi32, #tpu.memory_space<hbm>>
        %dma_wait3A_307 = arith.constant 0 : i32
        %dma_wait3A_308 = arith.constant 0 : i32
        %dma_wait3A_309 = arith.constant 0 : i32
        %dma_wait3A_310 = arith.constant 0 : i32
        %dma_wait3A_311 = tpu.memref_slice %arg3[%arg0, %dma_wait3A_307, %dma_wait3A_308, %dma_wait3A_309, %dma_wait3A_310] : memref<2x16x180x3x112xi32, #tpu.memory_space<hbm>> -> memref<1x16x180x3x112xi32, #tpu.memory_space<hbm>>
        %dma_wait3A_312 = tpu.memref_squeeze %dma_wait3A_311 : memref<1x16x180x3x112xi32, #tpu.memory_space<hbm>> -> memref<16x180x3x112xi32, #tpu.memory_space<hbm>>
        %dma_wait3A_313 = arith.constant 0 : i32
        %dma_wait3A_314 = arith.constant 0 : i32
        %dma_wait3A_315 = arith.constant 0 : i32
        %dma_wait3A_316 = tpu.memref_slice %dma_wait3A_312[%arg1, %dma_wait3A_313, %dma_wait3A_314, %dma_wait3A_315] : memref<16x180x3x112xi32, #tpu.memory_space<hbm>> -> memref<1x180x3x112xi32, #tpu.memory_space<hbm>>
        %dma_wait3A_317 = tpu.memref_squeeze %dma_wait3A_316 : memref<1x180x3x112xi32, #tpu.memory_space<hbm>> -> memref<180x3x112xi32, #tpu.memory_space<hbm>>
        %dma_wait3A_318 = arith.constant 0 : i32
        %dma_wait3A_319 = arith.constant 0 : i32
        %dma_wait3A_320 = tpu.memref_slice %dma_wait3A_317[%add3A_291, %dma_wait3A_318, %dma_wait3A_319] : memref<180x3x112xi32, #tpu.memory_space<hbm>> -> memref<1x3x112xi32, #tpu.memory_space<hbm>>
        %dma_wait3A_321 = tpu.memref_squeeze %dma_wait3A_320 : memref<1x3x112xi32, #tpu.memory_space<hbm>> -> memref<3x112xi32, #tpu.memory_space<hbm>>
        tpu.wait_dma2 semaphore(%arg14 : memref<!tpu.dma_semaphore, #tpu.memory_space<semaphore_mem>>) src(%dma_wait3A_321 : memref<3x112xi32, #tpu.memory_space<hbm>>) dst(%arg7 : memref<3x112xi32, #tpu.memory_space<vmem>>)
        %dma_start3A_322 = arith.constant 0 : i32
        %dma_start3A_323 = arith.constant 0 : i32
        %dma_start3A_324 = arith.constant 0 : i32
        %dma_start3A_325 = tpu.memref_slice %arg10[%dma_start3A_323, %dma_start3A_324] : memref<112x128xf32, #tpu.memory_space<vmem>> -> memref<56x128xf32, #tpu.memory_space<vmem>>
        %dma_start3A_326 = arith.constant 0 : i32
        %dma_start3A_327 = tpu.memref_slice %arg7[%dma_start3A_322, %dma_start3A_326] : memref<3x112xi32, #tpu.memory_space<vmem>> -> memref<1x56xi32, #tpu.memory_space<vmem>>
        %dma_start3A_328 = tpu.memref_squeeze %dma_start3A_327 : memref<1x56xi32, #tpu.memory_space<vmem>> -> memref<56xi32, #tpu.memory_space<vmem>>
        %dma_start3A_329 = arith.constant 0 : i32
        %dma_start3A_330 = arith.constant 0 : i32
        %dma_start3A_331 = tpu.memref_slice %arg2[%dma_start3A_329, %dma_start3A_330] : memref<10000x128xf32, #tpu.memory_space<hbm>> -> memref<10000x128xf32, #tpu.memory_space<hbm>>
        tpu.enqueue_indirect_dma source(%dma_start3A_331 : memref<10000x128xf32, #tpu.memory_space<hbm>>) target(%dma_start3A_325 : memref<56x128xf32, #tpu.memory_space<vmem>>) offsets(%dma_start3A_328 : memref<56xi32, #tpu.memory_space<vmem>>) semaphore(%arg17 : memref<!tpu.dma_semaphore, #tpu.memory_space<semaphore_mem>>)
        %dma_start3A_332 = arith.constant 0 : i32
        %dma_start3A_333 = arith.constant 56 : i32
        %dma_start3A_334 = arith.constant 0 : i32
        %dma_start3A_335 = tpu.memref_slice %arg10[%dma_start3A_333, %dma_start3A_334] : memref<112x128xf32, #tpu.memory_space<vmem>> -> memref<56x128xf32, #tpu.memory_space<vmem>>
        %dma_start3A_336 = arith.constant 56 : i32
        %dma_start3A_337 = tpu.memref_slice %arg7[%dma_start3A_332, %dma_start3A_336] : memref<3x112xi32, #tpu.memory_space<vmem>> -> memref<1x56xi32, #tpu.memory_space<vmem>>
        %dma_start3A_338 = tpu.memref_squeeze %dma_start3A_337 : memref<1x56xi32, #tpu.memory_space<vmem>> -> memref<56xi32, #tpu.memory_space<vmem>>
        %dma_start3A_339 = arith.constant 0 : i32
        %dma_start3A_340 = arith.constant 0 : i32
        %dma_start3A_341 = tpu.memref_slice %arg2[%dma_start3A_339, %dma_start3A_340] : memref<10000x128xf32, #tpu.memory_space<hbm>> -> memref<10000x128xf32, #tpu.memory_space<hbm>>
        tpu.enqueue_indirect_dma source(%dma_start3A_341 : memref<10000x128xf32, #tpu.memory_space<hbm>>) target(%dma_start3A_335 : memref<56x128xf32, #tpu.memory_space<vmem>>) offsets(%dma_start3A_338 : memref<56xi32, #tpu.memory_space<vmem>>) semaphore(%arg20 : memref<!tpu.dma_semaphore, #tpu.memory_space<semaphore_mem>>)
      } else {
      }
      %dma_wait3A_197 = arith.constant 0 : i32
      %dma_wait3A_198 = arith.constant 0 : i32
      %dma_wait3A_199 = arith.constant 0 : i32
      %dma_wait3A_200 = tpu.memref_slice %arg9[%dma_wait3A_198, %dma_wait3A_199] : memref<112x128xf32, #tpu.memory_space<vmem>> -> memref<56x128xf32, #tpu.memory_space<vmem>>
      %dma_wait3A_201 = arith.constant 0 : i32
      %dma_wait3A_202 = tpu.memref_slice %arg6[%dma_wait3A_197, %dma_wait3A_201] : memref<3x112xi32, #tpu.memory_space<vmem>> -> memref<1x56xi32, #tpu.memory_space<vmem>>
      %dma_wait3A_203 = tpu.memref_squeeze %dma_wait3A_202 : memref<1x56xi32, #tpu.memory_space<vmem>> -> memref<56xi32, #tpu.memory_space<vmem>>
      %dma_wait3A_204 = arith.constant 0 : i32
      %dma_wait3A_205 = arith.constant 0 : i32
      %dma_wait3A_206 = tpu.memref_slice %arg2[%dma_wait3A_204, %dma_wait3A_205] : memref<10000x128xf32, #tpu.memory_space<hbm>> -> memref<10000x128xf32, #tpu.memory_space<hbm>>
      tpu.wait_indirect_dma semaphore(%arg16 : memref<!tpu.dma_semaphore, #tpu.memory_space<semaphore_mem>>) src(%dma_wait3A_206 : memref<10000x128xf32, #tpu.memory_space<hbm>>) dst(%dma_wait3A_200 : memref<56x128xf32, #tpu.memory_space<vmem>>)
      %dma_wait3A_207 = arith.constant 0 : i32
      %dma_wait3A_208 = arith.constant 56 : i32
      %dma_wait3A_209 = arith.constant 0 : i32
      %dma_wait3A_210 = tpu.memref_slice %arg9[%dma_wait3A_208, %dma_wait3A_209] : memref<112x128xf32, #tpu.memory_space<vmem>> -> memref<56x128xf32, #tpu.memory_space<vmem>>
      %dma_wait3A_211 = arith.constant 56 : i32
      %dma_wait3A_212 = tpu.memref_slice %arg6[%dma_wait3A_207, %dma_wait3A_211] : memref<3x112xi32, #tpu.memory_space<vmem>> -> memref<1x56xi32, #tpu.memory_space<vmem>>
      %dma_wait3A_213 = tpu.memref_squeeze %dma_wait3A_212 : memref<1x56xi32, #tpu.memory_space<vmem>> -> memref<56xi32, #tpu.memory_space<vmem>>
      %dma_wait3A_214 = arith.constant 0 : i32
      %dma_wait3A_215 = arith.constant 0 : i32
      %dma_wait3A_216 = tpu.memref_slice %arg2[%dma_wait3A_214, %dma_wait3A_215] : memref<10000x128xf32, #tpu.memory_space<hbm>> -> memref<10000x128xf32, #tpu.memory_space<hbm>>
      tpu.wait_indirect_dma semaphore(%arg19 : memref<!tpu.dma_semaphore, #tpu.memory_space<semaphore_mem>>) src(%dma_wait3A_216 : memref<10000x128xf32, #tpu.memory_space<hbm>>) dst(%dma_wait3A_210 : memref<56x128xf32, #tpu.memory_space<vmem>>)
      %parallel_loop3A_217 = arith.constant 0 : i32
      %parallel_loop3A_218 = arith.constant 112 : i32
      %parallel_loop3A_219 = arith.constant 1 : i32
      scf.for %parallel_loop3A_290 = %parallel_loop3A_217 to %parallel_loop3A_218 step %parallel_loop3A_219  : i32 {
        %parallel_loop3A_291 = arith.constant 2 : i32
        %parallel_loop3A_292 = vector.broadcast %parallel_loop3A_291 : i32 to vector<16xi32>
        %parallel_loop3A_293 = vector.broadcast %parallel_loop3A_290 : i32 to vector<16xi32>
        %parallel_loop3A_294 = tpu.vector_load_idx %arg6[%parallel_loop3A_292, %parallel_loop3A_293] : memref<3x112xi32, #tpu.memory_space<vmem>>[vector<16xi32>, vector<16xi32>], vector<16xi32>,
        %parallel_loop3A_295 = vector.bitcast %parallel_loop3A_294 : vector<16xi32> to vector<16xf32>
        %parallel_loop3A_296 = arith.index_cast %parallel_loop3A_290 : i32 to index
        %parallel_loop3A_297 = arith.constant 0 : index
        %parallel_loop3A_298 = tpu.vector_load %arg9[%parallel_loop3A_296, %parallel_loop3A_297] {strides = array<i32>} : memref<112x128xf32, #tpu.memory_space<vmem>>, vector<16xf32>,
        %parallel_loop3A_299 = arith.mulf %parallel_loop3A_298, %parallel_loop3A_295 : vector<16xf32>
        %parallel_loop3A_300 = arith.index_cast %parallel_loop3A_290 : i32 to index
        %parallel_loop3A_301 = arith.constant 0 : index
        %parallel_loop3A_302 = tpu.vector_load %arg9[%parallel_loop3A_300, %parallel_loop3A_301] {strides = array<i32>} : memref<112x128xf32, #tpu.memory_space<vmem>>, vector<16xf32>,
        tpu.vector_store %arg9[%parallel_loop3A_300, %parallel_loop3A_301], %parallel_loop3A_299 {strides = array<i32>} : memref<112x128xf32, #tpu.memory_space<vmem>>, vector<16xf32>,
        %parallel_loop3A_303 = arith.index_cast %parallel_loop3A_290 : i32 to index
        %parallel_loop3A_304 = arith.constant 16 : index
        %parallel_loop3A_305 = tpu.vector_load %arg9[%parallel_loop3A_303, %parallel_loop3A_304] {strides = array<i32>} : memref<112x128xf32, #tpu.memory_space<vmem>>, vector<16xf32>,
        %parallel_loop3A_306 = arith.mulf %parallel_loop3A_305, %parallel_loop3A_295 : vector<16xf32>
        %parallel_loop3A_307 = arith.index_cast %parallel_loop3A_290 : i32 to index
        %parallel_loop3A_308 = arith.constant 16 : index
        %parallel_loop3A_309 = tpu.vector_load %arg9[%parallel_loop3A_307, %parallel_loop3A_308] {strides = array<i32>} : memref<112x128xf32, #tpu.memory_space<vmem>>, vector<16xf32>,
        tpu.vector_store %arg9[%parallel_loop3A_307, %parallel_loop3A_308], %parallel_loop3A_306 {strides = array<i32>} : memref<112x128xf32, #tpu.memory_space<vmem>>, vector<16xf32>,
        %parallel_loop3A_310 = arith.index_cast %parallel_loop3A_290 : i32 to index
        %parallel_loop3A_311 = arith.constant 32 : index
        %parallel_loop3A_312 = tpu.vector_load %arg9[%parallel_loop3A_310, %parallel_loop3A_311] {strides = array<i32>} : memref<112x128xf32, #tpu.memory_space<vmem>>, vector<16xf32>,
        %parallel_loop3A_313 = arith.mulf %parallel_loop3A_312, %parallel_loop3A_295 : vector<16xf32>
        %parallel_loop3A_314 = arith.index_cast %parallel_loop3A_290 : i32 to index
        %parallel_loop3A_315 = arith.constant 32 : index
        %parallel_loop3A_316 = tpu.vector_load %arg9[%parallel_loop3A_314, %parallel_loop3A_315] {strides = array<i32>} : memref<112x128xf32, #tpu.memory_space<vmem>>, vector<16xf32>,
        tpu.vector_store %arg9[%parallel_loop3A_314, %parallel_loop3A_315], %parallel_loop3A_313 {strides = array<i32>} : memref<112x128xf32, #tpu.memory_space<vmem>>, vector<16xf32>,
        %parallel_loop3A_317 = arith.index_cast %parallel_loop3A_290 : i32 to index
        %parallel_loop3A_318 = arith.constant 48 : index
        %parallel_loop3A_319 = tpu.vector_load %arg9[%parallel_loop3A_317, %parallel_loop3A_318] {strides = array<i32>} : memref<112x128xf32, #tpu.memory_space<vmem>>, vector<16xf32>,
        %parallel_loop3A_320 = arith.mulf %parallel_loop3A_319, %parallel_loop3A_295 : vector<16xf32>
        %parallel_loop3A_321 = arith.index_cast %parallel_loop3A_290 : i32 to index
        %parallel_loop3A_322 = arith.constant 48 : index
        %parallel_loop3A_323 = tpu.vector_load %arg9[%parallel_loop3A_321, %parallel_loop3A_322] {strides = array<i32>} : memref<112x128xf32, #tpu.memory_space<vmem>>, vector<16xf32>,
        tpu.vector_store %arg9[%parallel_loop3A_321, %parallel_loop3A_322], %parallel_loop3A_320 {strides = array<i32>} : memref<112x128xf32, #tpu.memory_space<vmem>>, vector<16xf32>,
        %parallel_loop3A_324 = arith.index_cast %parallel_loop3A_290 : i32 to index
        %parallel_loop3A_325 = arith.constant 64 : index
        %parallel_loop3A_326 = tpu.vector_load %arg9[%parallel_loop3A_324, %parallel_loop3A_325] {strides = array<i32>} : memref<112x128xf32, #tpu.memory_space<vmem>>, vector<16xf32>,
        %parallel_loop3A_327 = arith.mulf %parallel_loop3A_326, %parallel_loop3A_295 : vector<16xf32>
        %parallel_loop3A_328 = arith.index_cast %parallel_loop3A_290 : i32 to index
        %parallel_loop3A_329 = arith.constant 64 : index
        %parallel_loop3A_330 = tpu.vector_load %arg9[%parallel_loop3A_328, %parallel_loop3A_329] {strides = array<i32>} : memref<112x128xf32, #tpu.memory_space<vmem>>, vector<16xf32>,
        tpu.vector_store %arg9[%parallel_loop3A_328, %parallel_loop3A_329], %parallel_loop3A_327 {strides = array<i32>} : memref<112x128xf32, #tpu.memory_space<vmem>>, vector<16xf32>,
        %parallel_loop3A_331 = arith.index_cast %parallel_loop3A_290 : i32 to index
        %parallel_loop3A_332 = arith.constant 80 : index
        %parallel_loop3A_333 = tpu.vector_load %arg9[%parallel_loop3A_331, %parallel_loop3A_332] {strides = array<i32>} : memref<112x128xf32, #tpu.memory_space<vmem>>, vector<16xf32>,
        %parallel_loop3A_334 = arith.mulf %parallel_loop3A_333, %parallel_loop3A_295 : vector<16xf32>
        %parallel_loop3A_335 = arith.index_cast %parallel_loop3A_290 : i32 to index
        %parallel_loop3A_336 = arith.constant 80 : index
        %parallel_loop3A_337 = tpu.vector_load %arg9[%parallel_loop3A_335, %parallel_loop3A_336] {strides = array<i32>} : memref<112x128xf32, #tpu.memory_space<vmem>>, vector<16xf32>,
        tpu.vector_store %arg9[%parallel_loop3A_335, %parallel_loop3A_336], %parallel_loop3A_334 {strides = array<i32>} : memref<112x128xf32, #tpu.memory_space<vmem>>, vector<16xf32>,
        %parallel_loop3A_338 = arith.index_cast %parallel_loop3A_290 : i32 to index
        %parallel_loop3A_339 = arith.constant 96 : index
        %parallel_loop3A_340 = tpu.vector_load %arg9[%parallel_loop3A_338, %parallel_loop3A_339] {strides = array<i32>} : memref<112x128xf32, #tpu.memory_space<vmem>>, vector<16xf32>,
        %parallel_loop3A_341 = arith.mulf %parallel_loop3A_340, %parallel_loop3A_295 : vector<16xf32>
        %parallel_loop3A_342 = arith.index_cast %parallel_loop3A_290 : i32 to index
        %parallel_loop3A_343 = arith.constant 96 : index
        %parallel_loop3A_344 = tpu.vector_load %arg9[%parallel_loop3A_342, %parallel_loop3A_343] {strides = array<i32>} : memref<112x128xf32, #tpu.memory_space<vmem>>, vector<16xf32>,
        tpu.vector_store %arg9[%parallel_loop3A_342, %parallel_loop3A_343], %parallel_loop3A_341 {strides = array<i32>} : memref<112x128xf32, #tpu.memory_space<vmem>>, vector<16xf32>,
        %parallel_loop3A_345 = arith.index_cast %parallel_loop3A_290 : i32 to index
        %parallel_loop3A_346 = arith.constant 112 : index
        %parallel_loop3A_347 = tpu.vector_load %arg9[%parallel_loop3A_345, %parallel_loop3A_346] {strides = array<i32>} : memref<112x128xf32, #tpu.memory_space<vmem>>, vector<16xf32>,
        %parallel_loop3A_348 = arith.mulf %parallel_loop3A_347, %parallel_loop3A_295 : vector<16xf32>
        %parallel_loop3A_349 = arith.index_cast %parallel_loop3A_290 : i32 to index
        %parallel_loop3A_350 = arith.constant 112 : index
        %parallel_loop3A_351 = tpu.vector_load %arg9[%parallel_loop3A_349, %parallel_loop3A_350] {strides = array<i32>} : memref<112x128xf32, #tpu.memory_space<vmem>>, vector<16xf32>,
        tpu.vector_store %arg9[%parallel_loop3A_349, %parallel_loop3A_350], %parallel_loop3A_348 {strides = array<i32>} : memref<112x128xf32, #tpu.memory_space<vmem>>, vector<16xf32>,
      } {sc.loop_unroll_factor = 4 : i64, sc.parallel_access}
      %ge3A_220 = arith.constant 1 : i32
      %ge3A_221 = arith.cmpi sge, %add3A_189, %ge3A_220 : i32
      %convert_element_type3A_222 = arith.extui %ge3A_221 : i1 to i32
      %cond3A_223 = arith.constant 0 : i32
      %cond3A_224 = arith.cmpi ne, %convert_element_type3A_222, %cond3A_223 : i32
      scf.if %cond3A_224 {
        %dma_wait3A_290 = arith.constant 1 : i32
        %dma_wait3A_291 = arith.constant 0 : i32
        %dma_wait3A_292 = tpu.memref_slice %arg5[%dma_wait3A_290, %dma_wait3A_291] : memref<3x112xi32, #tpu.memory_space<vmem>> -> memref<1x112xi32, #tpu.memory_space<vmem>>
        %dma_wait3A_293 = tpu.memref_squeeze %dma_wait3A_292 : memref<1x112xi32, #tpu.memory_space<vmem>> -> memref<112xi32, #tpu.memory_space<vmem>>
        %dma_wait3A_294 = arith.constant 0 : i32
        %dma_wait3A_295 = arith.constant 0 : i32
        %dma_wait3A_296 = tpu.memref_slice %arg11[%dma_wait3A_294, %dma_wait3A_295] : memref<10000x128xf32, #tpu.memory_space<vmem_shared>> -> memref<10000x128xf32, #tpu.memory_space<vmem_shared>>
        tpu.wait_indirect_dma semaphore(%arg21 : memref<!tpu.dma_semaphore, #tpu.memory_space<semaphore_mem>>) src(%arg8 : memref<112x128xf32, #tpu.memory_space<vmem>>) dst(%dma_wait3A_296 : memref<10000x128xf32, #tpu.memory_space<vmem_shared>>)
      } else {
      }
      %add3A_225 = arith.constant 2 : i32
      %add3A_226 = arith.addi %add3A_189, %add3A_225 : i32
      %lt3A_227 = arith.constant 180 : i32
      %lt3A_228 = arith.cmpi slt, %add3A_226, %lt3A_227 : i32
      %convert_element_type3A_229 = arith.extui %lt3A_228 : i1 to i32
      %cond3A_230 = arith.constant 0 : i32
      %cond3A_231 = arith.cmpi ne, %convert_element_type3A_229, %cond3A_230 : i32
      scf.if %cond3A_231 {
        %add3A_290 = arith.constant 2 : i32
        %add3A_291 = arith.addi %add3A_189, %add3A_290 : i32
        %dma_start3A_292 = arith.constant 0 : i32
        %dma_start3A_293 = arith.constant 0 : i32
        %dma_start3A_294 = arith.constant 0 : i32
        %dma_start3A_295 = arith.constant 0 : i32
        %dma_start3A_296 = tpu.memref_slice %arg3[%arg0, %dma_start3A_292, %dma_start3A_293, %dma_start3A_294, %dma_start3A_295] : memref<2x16x180x3x112xi32, #tpu.memory_space<hbm>> -> memref<1x16x180x3x112xi32, #tpu.memory_space<hbm>>
        %dma_start3A_297 = tpu.memref_squeeze %dma_start3A_296 : memref<1x16x180x3x112xi32, #tpu.memory_space<hbm>> -> memref<16x180x3x112xi32, #tpu.memory_space<hbm>>
        %dma_start3A_298 = arith.constant 0 : i32
        %dma_start3A_299 = arith.constant 0 : i32
        %dma_start3A_300 = arith.constant 0 : i32
        %dma_start3A_301 = tpu.memref_slice %dma_start3A_297[%arg1, %dma_start3A_298, %dma_start3A_299, %dma_start3A_300] : memref<16x180x3x112xi32, #tpu.memory_space<hbm>> -> memref<1x180x3x112xi32, #tpu.memory_space<hbm>>
        %dma_start3A_302 = tpu.memref_squeeze %dma_start3A_301 : memref<1x180x3x112xi32, #tpu.memory_space<hbm>> -> memref<180x3x112xi32, #tpu.memory_space<hbm>>
        %dma_start3A_303 = arith.constant 0 : i32
        %dma_start3A_304 = arith.constant 0 : i32
        %dma_start3A_305 = tpu.memref_slice %dma_start3A_302[%add3A_291, %dma_start3A_303, %dma_start3A_304] : memref<180x3x112xi32, #tpu.memory_space<hbm>> -> memref<1x3x112xi32, #tpu.memory_space<hbm>>
        %dma_start3A_306 = tpu.memref_squeeze %dma_start3A_305 : memref<1x3x112xi32, #tpu.memory_space<hbm>> -> memref<3x112xi32, #tpu.memory_space<hbm>>
        %dma_start3A_307 = arith.constant 0 : i32
        %dma_start3A_308 = arith.constant 0 : i32
        %dma_start3A_309 = arith.constant 0 : i32
        %dma_start3A_310 = arith.constant 0 : i32
        %dma_start3A_311 = tpu.memref_slice %arg3[%arg0, %dma_start3A_307, %dma_start3A_308, %dma_start3A_309, %dma_start3A_310] : memref<2x16x180x3x112xi32, #tpu.memory_space<hbm>> -> memref<1x16x180x3x112xi32, #tpu.memory_space<hbm>>
        %dma_start3A_312 = tpu.memref_squeeze %dma_start3A_311 : memref<1x16x180x3x112xi32, #tpu.memory_space<hbm>> -> memref<16x180x3x112xi32, #tpu.memory_space<hbm>>
        %dma_start3A_313 = arith.constant 0 : i32
        %dma_start3A_314 = arith.constant 0 : i32
        %dma_start3A_315 = arith.constant 0 : i32
        %dma_start3A_316 = tpu.memref_slice %dma_start3A_312[%arg1, %dma_start3A_313, %dma_start3A_314, %dma_start3A_315] : memref<16x180x3x112xi32, #tpu.memory_space<hbm>> -> memref<1x180x3x112xi32, #tpu.memory_space<hbm>>
        %dma_start3A_317 = tpu.memref_squeeze %dma_start3A_316 : memref<1x180x3x112xi32, #tpu.memory_space<hbm>> -> memref<180x3x112xi32, #tpu.memory_space<hbm>>
        %dma_start3A_318 = arith.constant 0 : i32
        %dma_start3A_319 = arith.constant 0 : i32
        %dma_start3A_320 = tpu.memref_slice %dma_start3A_317[%add3A_291, %dma_start3A_318, %dma_start3A_319] : memref<180x3x112xi32, #tpu.memory_space<hbm>> -> memref<1x3x112xi32, #tpu.memory_space<hbm>>
        %dma_start3A_321 = tpu.memref_squeeze %dma_start3A_320 : memref<1x3x112xi32, #tpu.memory_space<hbm>> -> memref<3x112xi32, #tpu.memory_space<hbm>>
        tpu.enqueue_dma source(%dma_start3A_321 : memref<3x112xi32, #tpu.memory_space<hbm>>) target(%arg5 : memref<3x112xi32, #tpu.memory_space<vmem>>) target_semaphore(%arg12 : memref<!tpu.dma_semaphore, #tpu.memory_space<semaphore_mem>>)
      } else {
      }
      %dma_start3A_232 = arith.constant 1 : i32
      %dma_start3A_233 = arith.constant 0 : i32
      %dma_start3A_234 = tpu.memref_slice %arg6[%dma_start3A_232, %dma_start3A_233] : memref<3x112xi32, #tpu.memory_space<vmem>> -> memref<1x112xi32, #tpu.memory_space<vmem>>
      %dma_start3A_235 = tpu.memref_squeeze %dma_start3A_234 : memref<1x112xi32, #tpu.memory_space<vmem>> -> memref<112xi32, #tpu.memory_space<vmem>>
      %dma_start3A_236 = arith.constant 0 : i32
      %dma_start3A_237 = arith.constant 0 : i32
      %dma_start3A_238 = tpu.memref_slice %arg11[%dma_start3A_236, %dma_start3A_237] : memref<10000x128xf32, #tpu.memory_space<vmem_shared>> -> memref<10000x128xf32, #tpu.memory_space<vmem_shared>>
      tpu.enqueue_indirect_dma source(%arg9 : memref<112x128xf32, #tpu.memory_space<vmem>>) target(%dma_start3A_238 : memref<10000x128xf32, #tpu.memory_space<vmem_shared>>) offsets(%dma_start3A_235 : memref<112xi32, #tpu.memory_space<vmem>>) semaphore(%arg22 : memref<!tpu.dma_semaphore, #tpu.memory_space<semaphore_mem>>) {add = true}
      %add3A_239 = arith.constant 2 : i32
      %add3A_240 = arith.addi %add3A_141, %add3A_239 : i32
      %add3A_241 = arith.constant 1 : i32
      %add3A_242 = arith.addi %add3A_240, %add3A_241 : i32
      %lt3A_243 = arith.constant 180 : i32
      %lt3A_244 = arith.cmpi slt, %add3A_242, %lt3A_243 : i32
      %convert_element_type3A_245 = arith.extui %lt3A_244 : i1 to i32
      %cond3A_246 = arith.constant 0 : i32
      %cond3A_247 = arith.cmpi ne, %convert_element_type3A_245, %cond3A_246 : i32
      scf.if %cond3A_247 {
        %add3A_290 = arith.constant 1 : i32
        %add3A_291 = arith.addi %add3A_240, %add3A_290 : i32
        %dma_wait3A_292 = arith.constant 0 : i32
        %dma_wait3A_293 = arith.constant 0 : i32
        %dma_wait3A_294 = arith.constant 0 : i32
        %dma_wait3A_295 = arith.constant 0 : i32
        %dma_wait3A_296 = tpu.memref_slice %arg3[%arg0, %dma_wait3A_292, %dma_wait3A_293, %dma_wait3A_294, %dma_wait3A_295] : memref<2x16x180x3x112xi32, #tpu.memory_space<hbm>> -> memref<1x16x180x3x112xi32, #tpu.memory_space<hbm>>
        %dma_wait3A_297 = tpu.memref_squeeze %dma_wait3A_296 : memref<1x16x180x3x112xi32, #tpu.memory_space<hbm>> -> memref<16x180x3x112xi32, #tpu.memory_space<hbm>>
        %dma_wait3A_298 = arith.constant 0 : i32
        %dma_wait3A_299 = arith.constant 0 : i32
        %dma_wait3A_300 = arith.constant 0 : i32
        %dma_wait3A_301 = tpu.memref_slice %dma_wait3A_297[%arg1, %dma_wait3A_298, %dma_wait3A_299, %dma_wait3A_300] : memref<16x180x3x112xi32, #tpu.memory_space<hbm>> -> memref<1x180x3x112xi32, #tpu.memory_space<hbm>>
        %dma_wait3A_302 = tpu.memref_squeeze %dma_wait3A_301 : memref<1x180x3x112xi32, #tpu.memory_space<hbm>> -> memref<180x3x112xi32, #tpu.memory_space<hbm>>
        %dma_wait3A_303 = arith.constant 0 : i32
        %dma_wait3A_304 = arith.constant 0 : i32
        %dma_wait3A_305 = tpu.memref_slice %dma_wait3A_302[%add3A_291, %dma_wait3A_303, %dma_wait3A_304] : memref<180x3x112xi32, #tpu.memory_space<hbm>> -> memref<1x3x112xi32, #tpu.memory_space<hbm>>
        %dma_wait3A_306 = tpu.memref_squeeze %dma_wait3A_305 : memref<1x3x112xi32, #tpu.memory_space<hbm>> -> memref<3x112xi32, #tpu.memory_space<hbm>>
        %dma_wait3A_307 = arith.constant 0 : i32
        %dma_wait3A_308 = arith.constant 0 : i32
        %dma_wait3A_309 = arith.constant 0 : i32
        %dma_wait3A_310 = arith.constant 0 : i32
        %dma_wait3A_311 = tpu.memref_slice %arg3[%arg0, %dma_wait3A_307, %dma_wait3A_308, %dma_wait3A_309, %dma_wait3A_310] : memref<2x16x180x3x112xi32, #tpu.memory_space<hbm>> -> memref<1x16x180x3x112xi32, #tpu.memory_space<hbm>>
        %dma_wait3A_312 = tpu.memref_squeeze %dma_wait3A_311 : memref<1x16x180x3x112xi32, #tpu.memory_space<hbm>> -> memref<16x180x3x112xi32, #tpu.memory_space<hbm>>
        %dma_wait3A_313 = arith.constant 0 : i32
        %dma_wait3A_314 = arith.constant 0 : i32
        %dma_wait3A_315 = arith.constant 0 : i32
        %dma_wait3A_316 = tpu.memref_slice %dma_wait3A_312[%arg1, %dma_wait3A_313, %dma_wait3A_314, %dma_wait3A_315] : memref<16x180x3x112xi32, #tpu.memory_space<hbm>> -> memref<1x180x3x112xi32, #tpu.memory_space<hbm>>
        %dma_wait3A_317 = tpu.memref_squeeze %dma_wait3A_316 : memref<1x180x3x112xi32, #tpu.memory_space<hbm>> -> memref<180x3x112xi32, #tpu.memory_space<hbm>>
        %dma_wait3A_318 = arith.constant 0 : i32
        %dma_wait3A_319 = arith.constant 0 : i32
        %dma_wait3A_320 = tpu.memref_slice %dma_wait3A_317[%add3A_291, %dma_wait3A_318, %dma_wait3A_319] : memref<180x3x112xi32, #tpu.memory_space<hbm>> -> memref<1x3x112xi32, #tpu.memory_space<hbm>>
        %dma_wait3A_321 = tpu.memref_squeeze %dma_wait3A_320 : memref<1x3x112xi32, #tpu.memory_space<hbm>> -> memref<3x112xi32, #tpu.memory_space<hbm>>
        tpu.wait_dma2 semaphore(%arg12 : memref<!tpu.dma_semaphore, #tpu.memory_space<semaphore_mem>>) src(%dma_wait3A_321 : memref<3x112xi32, #tpu.memory_space<hbm>>) dst(%arg5 : memref<3x112xi32, #tpu.memory_space<vmem>>)
        %dma_start3A_322 = arith.constant 0 : i32
        %dma_start3A_323 = arith.constant 0 : i32
        %dma_start3A_324 = arith.constant 0 : i32
        %dma_start3A_325 = tpu.memref_slice %arg8[%dma_start3A_323, %dma_start3A_324] : memref<112x128xf32, #tpu.memory_space<vmem>> -> memref<56x128xf32, #tpu.memory_space<vmem>>
        %dma_start3A_326 = arith.constant 0 : i32
        %dma_start3A_327 = tpu.memref_slice %arg5[%dma_start3A_322, %dma_start3A_326] : memref<3x112xi32, #tpu.memory_space<vmem>> -> memref<1x56xi32, #tpu.memory_space<vmem>>
        %dma_start3A_328 = tpu.memref_squeeze %dma_start3A_327 : memref<1x56xi32, #tpu.memory_space<vmem>> -> memref<56xi32, #tpu.memory_space<vmem>>
        %dma_start3A_329 = arith.constant 0 : i32
        %dma_start3A_330 = arith.constant 0 : i32
        %dma_start3A_331 = tpu.memref_slice %arg2[%dma_start3A_329, %dma_start3A_330] : memref<10000x128xf32, #tpu.memory_space<hbm>> -> memref<10000x128xf32, #tpu.memory_space<hbm>>
        tpu.enqueue_indirect_dma source(%dma_start3A_331 : memref<10000x128xf32, #tpu.memory_space<hbm>>) target(%dma_start3A_325 : memref<56x128xf32, #tpu.memory_space<vmem>>) offsets(%dma_start3A_328 : memref<56xi32, #tpu.memory_space<vmem>>) semaphore(%arg15 : memref<!tpu.dma_semaphore, #tpu.memory_space<semaphore_mem>>)
        %dma_start3A_332 = arith.constant 0 : i32
        %dma_start3A_333 = arith.constant 56 : i32
        %dma_start3A_334 = arith.constant 0 : i32
        %dma_start3A_335 = tpu.memref_slice %arg8[%dma_start3A_333, %dma_start3A_334] : memref<112x128xf32, #tpu.memory_space<vmem>> -> memref<56x128xf32, #tpu.memory_space<vmem>>
        %dma_start3A_336 = arith.constant 56 : i32
        %dma_start3A_337 = tpu.memref_slice %arg5[%dma_start3A_332, %dma_start3A_336] : memref<3x112xi32, #tpu.memory_space<vmem>> -> memref<1x56xi32, #tpu.memory_space<vmem>>
        %dma_start3A_338 = tpu.memref_squeeze %dma_start3A_337 : memref<1x56xi32, #tpu.memory_space<vmem>> -> memref<56xi32, #tpu.memory_space<vmem>>
        %dma_start3A_339 = arith.constant 0 : i32
        %dma_start3A_340 = arith.constant 0 : i32
        %dma_start3A_341 = tpu.memref_slice %arg2[%dma_start3A_339, %dma_start3A_340] : memref<10000x128xf32, #tpu.memory_space<hbm>> -> memref<10000x128xf32, #tpu.memory_space<hbm>>
        tpu.enqueue_indirect_dma source(%dma_start3A_341 : memref<10000x128xf32, #tpu.memory_space<hbm>>) target(%dma_start3A_335 : memref<56x128xf32, #tpu.memory_space<vmem>>) offsets(%dma_start3A_338 : memref<56xi32, #tpu.memory_space<vmem>>) semaphore(%arg18 : memref<!tpu.dma_semaphore, #tpu.memory_space<semaphore_mem>>)
      } else {
      }
      %dma_wait3A_248 = arith.constant 0 : i32
      %dma_wait3A_249 = arith.constant 0 : i32
      %dma_wait3A_250 = arith.constant 0 : i32
      %dma_wait3A_251 = tpu.memref_slice %arg10[%dma_wait3A_249, %dma_wait3A_250] : memref<112x128xf32, #tpu.memory_space<vmem>> -> memref<56x128xf32, #tpu.memory_space<vmem>>
      %dma_wait3A_252 = arith.constant 0 : i32
      %dma_wait3A_253 = tpu.memref_slice %arg7[%dma_wait3A_248, %dma_wait3A_252] : memref<3x112xi32, #tpu.memory_space<vmem>> -> memref<1x56xi32, #tpu.memory_space<vmem>>
      %dma_wait3A_254 = tpu.memref_squeeze %dma_wait3A_253 : memref<1x56xi32, #tpu.memory_space<vmem>> -> memref<56xi32, #tpu.memory_space<vmem>>
      %dma_wait3A_255 = arith.constant 0 : i32
      %dma_wait3A_256 = arith.constant 0 : i32
      %dma_wait3A_257 = tpu.memref_slice %arg2[%dma_wait3A_255, %dma_wait3A_256] : memref<10000x128xf32, #tpu.memory_space<hbm>> -> memref<10000x128xf32, #tpu.memory_space<hbm>>
      tpu.wait_indirect_dma semaphore(%arg17 : memref<!tpu.dma_semaphore, #tpu.memory_space<semaphore_mem>>) src(%dma_wait3A_257 : memref<10000x128xf32, #tpu.memory_space<hbm>>) dst(%dma_wait3A_251 : memref<56x128xf32, #tpu.memory_space<vmem>>)
      %dma_wait3A_258 = arith.constant 0 : i32
      %dma_wait3A_259 = arith.constant 56 : i32
      %dma_wait3A_260 = arith.constant 0 : i32
      %dma_wait3A_261 = tpu.memref_slice %arg10[%dma_wait3A_259, %dma_wait3A_260] : memref<112x128xf32, #tpu.memory_space<vmem>> -> memref<56x128xf32, #tpu.memory_space<vmem>>
      %dma_wait3A_262 = arith.constant 56 : i32
      %dma_wait3A_263 = tpu.memref_slice %arg7[%dma_wait3A_258, %dma_wait3A_262] : memref<3x112xi32, #tpu.memory_space<vmem>> -> memref<1x56xi32, #tpu.memory_space<vmem>>
      %dma_wait3A_264 = tpu.memref_squeeze %dma_wait3A_263 : memref<1x56xi32, #tpu.memory_space<vmem>> -> memref<56xi32, #tpu.memory_space<vmem>>
      %dma_wait3A_265 = arith.constant 0 : i32
      %dma_wait3A_266 = arith.constant 0 : i32
      %dma_wait3A_267 = tpu.memref_slice %arg2[%dma_wait3A_265, %dma_wait3A_266] : memref<10000x128xf32, #tpu.memory_space<hbm>> -> memref<10000x128xf32, #tpu.memory_space<hbm>>
      tpu.wait_indirect_dma semaphore(%arg20 : memref<!tpu.dma_semaphore, #tpu.memory_space<semaphore_mem>>) src(%dma_wait3A_267 : memref<10000x128xf32, #tpu.memory_space<hbm>>) dst(%dma_wait3A_261 : memref<56x128xf32, #tpu.memory_space<vmem>>)
      %parallel_loop3A_268 = arith.constant 0 : i32
      %parallel_loop3A_269 = arith.constant 112 : i32
      %parallel_loop3A_270 = arith.constant 1 : i32
      scf.for %parallel_loop3A_290 = %parallel_loop3A_268 to %parallel_loop3A_269 step %parallel_loop3A_270  : i32 {
        %parallel_loop3A_291 = arith.constant 2 : i32
        %parallel_loop3A_292 = vector.broadcast %parallel_loop3A_291 : i32 to vector<16xi32>
        %parallel_loop3A_293 = vector.broadcast %parallel_loop3A_290 : i32 to vector<16xi32>
        %parallel_loop3A_294 = tpu.vector_load_idx %arg7[%parallel_loop3A_292, %parallel_loop3A_293] : memref<3x112xi32, #tpu.memory_space<vmem>>[vector<16xi32>, vector<16xi32>], vector<16xi32>,
        %parallel_loop3A_295 = vector.bitcast %parallel_loop3A_294 : vector<16xi32> to vector<16xf32>
        %parallel_loop3A_296 = arith.index_cast %parallel_loop3A_290 : i32 to index
        %parallel_loop3A_297 = arith.constant 0 : index
        %parallel_loop3A_298 = tpu.vector_load %arg10[%parallel_loop3A_296, %parallel_loop3A_297] {strides = array<i32>} : memref<112x128xf32, #tpu.memory_space<vmem>>, vector<16xf32>,
        %parallel_loop3A_299 = arith.mulf %parallel_loop3A_298, %parallel_loop3A_295 : vector<16xf32>
        %parallel_loop3A_300 = arith.index_cast %parallel_loop3A_290 : i32 to index
        %parallel_loop3A_301 = arith.constant 0 : index
        %parallel_loop3A_302 = tpu.vector_load %arg10[%parallel_loop3A_300, %parallel_loop3A_301] {strides = array<i32>} : memref<112x128xf32, #tpu.memory_space<vmem>>, vector<16xf32>,
        tpu.vector_store %arg10[%parallel_loop3A_300, %parallel_loop3A_301], %parallel_loop3A_299 {strides = array<i32>} : memref<112x128xf32, #tpu.memory_space<vmem>>, vector<16xf32>,
        %parallel_loop3A_303 = arith.index_cast %parallel_loop3A_290 : i32 to index
        %parallel_loop3A_304 = arith.constant 16 : index
        %parallel_loop3A_305 = tpu.vector_load %arg10[%parallel_loop3A_303, %parallel_loop3A_304] {strides = array<i32>} : memref<112x128xf32, #tpu.memory_space<vmem>>, vector<16xf32>,
        %parallel_loop3A_306 = arith.mulf %parallel_loop3A_305, %parallel_loop3A_295 : vector<16xf32>
        %parallel_loop3A_307 = arith.index_cast %parallel_loop3A_290 : i32 to index
        %parallel_loop3A_308 = arith.constant 16 : index
        %parallel_loop3A_309 = tpu.vector_load %arg10[%parallel_loop3A_307, %parallel_loop3A_308] {strides = array<i32>} : memref<112x128xf32, #tpu.memory_space<vmem>>, vector<16xf32>,
        tpu.vector_store %arg10[%parallel_loop3A_307, %parallel_loop3A_308], %parallel_loop3A_306 {strides = array<i32>} : memref<112x128xf32, #tpu.memory_space<vmem>>, vector<16xf32>,
        %parallel_loop3A_310 = arith.index_cast %parallel_loop3A_290 : i32 to index
        %parallel_loop3A_311 = arith.constant 32 : index
        %parallel_loop3A_312 = tpu.vector_load %arg10[%parallel_loop3A_310, %parallel_loop3A_311] {strides = array<i32>} : memref<112x128xf32, #tpu.memory_space<vmem>>, vector<16xf32>,
        %parallel_loop3A_313 = arith.mulf %parallel_loop3A_312, %parallel_loop3A_295 : vector<16xf32>
        %parallel_loop3A_314 = arith.index_cast %parallel_loop3A_290 : i32 to index
        %parallel_loop3A_315 = arith.constant 32 : index
        %parallel_loop3A_316 = tpu.vector_load %arg10[%parallel_loop3A_314, %parallel_loop3A_315] {strides = array<i32>} : memref<112x128xf32, #tpu.memory_space<vmem>>, vector<16xf32>,
        tpu.vector_store %arg10[%parallel_loop3A_314, %parallel_loop3A_315], %parallel_loop3A_313 {strides = array<i32>} : memref<112x128xf32, #tpu.memory_space<vmem>>, vector<16xf32>,
        %parallel_loop3A_317 = arith.index_cast %parallel_loop3A_290 : i32 to index
        %parallel_loop3A_318 = arith.constant 48 : index
        %parallel_loop3A_319 = tpu.vector_load %arg10[%parallel_loop3A_317, %parallel_loop3A_318] {strides = array<i32>} : memref<112x128xf32, #tpu.memory_space<vmem>>, vector<16xf32>,
        %parallel_loop3A_320 = arith.mulf %parallel_loop3A_319, %parallel_loop3A_295 : vector<16xf32>
        %parallel_loop3A_321 = arith.index_cast %parallel_loop3A_290 : i32 to index
        %parallel_loop3A_322 = arith.constant 48 : index
        %parallel_loop3A_323 = tpu.vector_load %arg10[%parallel_loop3A_321, %parallel_loop3A_322] {strides = array<i32>} : memref<112x128xf32, #tpu.memory_space<vmem>>, vector<16xf32>,
        tpu.vector_store %arg10[%parallel_loop3A_321, %parallel_loop3A_322], %parallel_loop3A_320 {strides = array<i32>} : memref<112x128xf32, #tpu.memory_space<vmem>>, vector<16xf32>,
        %parallel_loop3A_324 = arith.index_cast %parallel_loop3A_290 : i32 to index
        %parallel_loop3A_325 = arith.constant 64 : index
        %parallel_loop3A_326 = tpu.vector_load %arg10[%parallel_loop3A_324, %parallel_loop3A_325] {strides = array<i32>} : memref<112x128xf32, #tpu.memory_space<vmem>>, vector<16xf32>,
        %parallel_loop3A_327 = arith.mulf %parallel_loop3A_326, %parallel_loop3A_295 : vector<16xf32>
        %parallel_loop3A_328 = arith.index_cast %parallel_loop3A_290 : i32 to index
        %parallel_loop3A_329 = arith.constant 64 : index
        %parallel_loop3A_330 = tpu.vector_load %arg10[%parallel_loop3A_328, %parallel_loop3A_329] {strides = array<i32>} : memref<112x128xf32, #tpu.memory_space<vmem>>, vector<16xf32>,
        tpu.vector_store %arg10[%parallel_loop3A_328, %parallel_loop3A_329], %parallel_loop3A_327 {strides = array<i32>} : memref<112x128xf32, #tpu.memory_space<vmem>>, vector<16xf32>,
        %parallel_loop3A_331 = arith.index_cast %parallel_loop3A_290 : i32 to index
        %parallel_loop3A_332 = arith.constant 80 : index
        %parallel_loop3A_333 = tpu.vector_load %arg10[%parallel_loop3A_331, %parallel_loop3A_332] {strides = array<i32>} : memref<112x128xf32, #tpu.memory_space<vmem>>, vector<16xf32>,
        %parallel_loop3A_334 = arith.mulf %parallel_loop3A_333, %parallel_loop3A_295 : vector<16xf32>
        %parallel_loop3A_335 = arith.index_cast %parallel_loop3A_290 : i32 to index
        %parallel_loop3A_336 = arith.constant 80 : index
        %parallel_loop3A_337 = tpu.vector_load %arg10[%parallel_loop3A_335, %parallel_loop3A_336] {strides = array<i32>} : memref<112x128xf32, #tpu.memory_space<vmem>>, vector<16xf32>,
        tpu.vector_store %arg10[%parallel_loop3A_335, %parallel_loop3A_336], %parallel_loop3A_334 {strides = array<i32>} : memref<112x128xf32, #tpu.memory_space<vmem>>, vector<16xf32>,
        %parallel_loop3A_338 = arith.index_cast %parallel_loop3A_290 : i32 to index
        %parallel_loop3A_339 = arith.constant 96 : index
        %parallel_loop3A_340 = tpu.vector_load %arg10[%parallel_loop3A_338, %parallel_loop3A_339] {strides = array<i32>} : memref<112x128xf32, #tpu.memory_space<vmem>>, vector<16xf32>,
        %parallel_loop3A_341 = arith.mulf %parallel_loop3A_340, %parallel_loop3A_295 : vector<16xf32>
        %parallel_loop3A_342 = arith.index_cast %parallel_loop3A_290 : i32 to index
        %parallel_loop3A_343 = arith.constant 96 : index
        %parallel_loop3A_344 = tpu.vector_load %arg10[%parallel_loop3A_342, %parallel_loop3A_343] {strides = array<i32>} : memref<112x128xf32, #tpu.memory_space<vmem>>, vector<16xf32>,
        tpu.vector_store %arg10[%parallel_loop3A_342, %parallel_loop3A_343], %parallel_loop3A_341 {strides = array<i32>} : memref<112x128xf32, #tpu.memory_space<vmem>>, vector<16xf32>,
        %parallel_loop3A_345 = arith.index_cast %parallel_loop3A_290 : i32 to index
        %parallel_loop3A_346 = arith.constant 112 : index
        %parallel_loop3A_347 = tpu.vector_load %arg10[%parallel_loop3A_345, %parallel_loop3A_346] {strides = array<i32>} : memref<112x128xf32, #tpu.memory_space<vmem>>, vector<16xf32>,
        %parallel_loop3A_348 = arith.mulf %parallel_loop3A_347, %parallel_loop3A_295 : vector<16xf32>
        %parallel_loop3A_349 = arith.index_cast %parallel_loop3A_290 : i32 to index
        %parallel_loop3A_350 = arith.constant 112 : index
        %parallel_loop3A_351 = tpu.vector_load %arg10[%parallel_loop3A_349, %parallel_loop3A_350] {strides = array<i32>} : memref<112x128xf32, #tpu.memory_space<vmem>>, vector<16xf32>,
        tpu.vector_store %arg10[%parallel_loop3A_349, %parallel_loop3A_350], %parallel_loop3A_348 {strides = array<i32>} : memref<112x128xf32, #tpu.memory_space<vmem>>, vector<16xf32>,
      } {sc.loop_unroll_factor = 4 : i64, sc.parallel_access}
      %ge3A_271 = arith.constant 1 : i32
      %ge3A_272 = arith.cmpi sge, %add3A_240, %ge3A_271 : i32
      %convert_element_type3A_273 = arith.extui %ge3A_272 : i1 to i32
      %cond3A_274 = arith.constant 0 : i32
      %cond3A_275 = arith.cmpi ne, %convert_element_type3A_273, %cond3A_274 : i32
      scf.if %cond3A_275 {
        %dma_wait3A_290 = arith.constant 1 : i32
        %dma_wait3A_291 = arith.constant 0 : i32
        %dma_wait3A_292 = tpu.memref_slice %arg6[%dma_wait3A_290, %dma_wait3A_291] : memref<3x112xi32, #tpu.memory_space<vmem>> -> memref<1x112xi32, #tpu.memory_space<vmem>>
        %dma_wait3A_293 = tpu.memref_squeeze %dma_wait3A_292 : memref<1x112xi32, #tpu.memory_space<vmem>> -> memref<112xi32, #tpu.memory_space<vmem>>
        %dma_wait3A_294 = arith.constant 0 : i32
        %dma_wait3A_295 = arith.constant 0 : i32
        %dma_wait3A_296 = tpu.memref_slice %arg11[%dma_wait3A_294, %dma_wait3A_295] : memref<10000x128xf32, #tpu.memory_space<vmem_shared>> -> memref<10000x128xf32, #tpu.memory_space<vmem_shared>>
        tpu.wait_indirect_dma semaphore(%arg22 : memref<!tpu.dma_semaphore, #tpu.memory_space<semaphore_mem>>) src(%arg9 : memref<112x128xf32, #tpu.memory_space<vmem>>) dst(%dma_wait3A_296 : memref<10000x128xf32, #tpu.memory_space<vmem_shared>>)
      } else {
      }
      %add3A_276 = arith.constant 2 : i32
      %add3A_277 = arith.addi %add3A_240, %add3A_276 : i32
      %lt3A_278 = arith.constant 180 : i32
      %lt3A_279 = arith.cmpi slt, %add3A_277, %lt3A_278 : i32
      %convert_element_type3A_280 = arith.extui %lt3A_279 : i1 to i32
      %cond3A_281 = arith.constant 0 : i32
      %cond3A_282 = arith.cmpi ne, %convert_element_type3A_280, %cond3A_281 : i32
      scf.if %cond3A_282 {
        %add3A_290 = arith.constant 2 : i32
        %add3A_291 = arith.addi %add3A_240, %add3A_290 : i32
        %dma_start3A_292 = arith.constant 0 : i32
        %dma_start3A_293 = arith.constant 0 : i32
        %dma_start3A_294 = arith.constant 0 : i32
        %dma_start3A_295 = arith.constant 0 : i32
        %dma_start3A_296 = tpu.memref_slice %arg3[%arg0, %dma_start3A_292, %dma_start3A_293, %dma_start3A_294, %dma_start3A_295] : memref<2x16x180x3x112xi32, #tpu.memory_space<hbm>> -> memref<1x16x180x3x112xi32, #tpu.memory_space<hbm>>
        %dma_start3A_297 = tpu.memref_squeeze %dma_start3A_296 : memref<1x16x180x3x112xi32, #tpu.memory_space<hbm>> -> memref<16x180x3x112xi32, #tpu.memory_space<hbm>>
        %dma_start3A_298 = arith.constant 0 : i32
        %dma_start3A_299 = arith.constant 0 : i32
        %dma_start3A_300 = arith.constant 0 : i32
        %dma_start3A_301 = tpu.memref_slice %dma_start3A_297[%arg1, %dma_start3A_298, %dma_start3A_299, %dma_start3A_300] : memref<16x180x3x112xi32, #tpu.memory_space<hbm>> -> memref<1x180x3x112xi32, #tpu.memory_space<hbm>>
        %dma_start3A_302 = tpu.memref_squeeze %dma_start3A_301 : memref<1x180x3x112xi32, #tpu.memory_space<hbm>> -> memref<180x3x112xi32, #tpu.memory_space<hbm>>
        %dma_start3A_303 = arith.constant 0 : i32
        %dma_start3A_304 = arith.constant 0 : i32
        %dma_start3A_305 = tpu.memref_slice %dma_start3A_302[%add3A_291, %dma_start3A_303, %dma_start3A_304] : memref<180x3x112xi32, #tpu.memory_space<hbm>> -> memref<1x3x112xi32, #tpu.memory_space<hbm>>
        %dma_start3A_306 = tpu.memref_squeeze %dma_start3A_305 : memref<1x3x112xi32, #tpu.memory_space<hbm>> -> memref<3x112xi32, #tpu.memory_space<hbm>>
        %dma_start3A_307 = arith.constant 0 : i32
        %dma_start3A_308 = arith.constant 0 : i32
        %dma_start3A_309 = arith.constant 0 : i32
        %dma_start3A_310 = arith.constant 0 : i32
        %dma_start3A_311 = tpu.memref_slice %arg3[%arg0, %dma_start3A_307, %dma_start3A_308, %dma_start3A_309, %dma_start3A_310] : memref<2x16x180x3x112xi32, #tpu.memory_space<hbm>> -> memref<1x16x180x3x112xi32, #tpu.memory_space<hbm>>
        %dma_start3A_312 = tpu.memref_squeeze %dma_start3A_311 : memref<1x16x180x3x112xi32, #tpu.memory_space<hbm>> -> memref<16x180x3x112xi32, #tpu.memory_space<hbm>>
        %dma_start3A_313 = arith.constant 0 : i32
        %dma_start3A_314 = arith.constant 0 : i32
        %dma_start3A_315 = arith.constant 0 : i32
        %dma_start3A_316 = tpu.memref_slice %dma_start3A_312[%arg1, %dma_start3A_313, %dma_start3A_314, %dma_start3A_315] : memref<16x180x3x112xi32, #tpu.memory_space<hbm>> -> memref<1x180x3x112xi32, #tpu.memory_space<hbm>>
        %dma_start3A_317 = tpu.memref_squeeze %dma_start3A_316 : memref<1x180x3x112xi32, #tpu.memory_space<hbm>> -> memref<180x3x112xi32, #tpu.memory_space<hbm>>
        %dma_start3A_318 = arith.constant 0 : i32
        %dma_start3A_319 = arith.constant 0 : i32
        %dma_start3A_320 = tpu.memref_slice %dma_start3A_317[%add3A_291, %dma_start3A_318, %dma_start3A_319] : memref<180x3x112xi32, #tpu.memory_space<hbm>> -> memref<1x3x112xi32, #tpu.memory_space<hbm>>
        %dma_start3A_321 = tpu.memref_squeeze %dma_start3A_320 : memref<1x3x112xi32, #tpu.memory_space<hbm>> -> memref<3x112xi32, #tpu.memory_space<hbm>>
        tpu.enqueue_dma source(%dma_start3A_321 : memref<3x112xi32, #tpu.memory_space<hbm>>) target(%arg6 : memref<3x112xi32, #tpu.memory_space<vmem>>) target_semaphore(%arg13 : memref<!tpu.dma_semaphore, #tpu.memory_space<semaphore_mem>>)
      } else {
      }
      %dma_start3A_283 = arith.constant 1 : i32
      %dma_start3A_284 = arith.constant 0 : i32
      %dma_start3A_285 = tpu.memref_slice %arg7[%dma_start3A_283, %dma_start3A_284] : memref<3x112xi32, #tpu.memory_space<vmem>> -> memref<1x112xi32, #tpu.memory_space<vmem>>
      %dma_start3A_286 = tpu.memref_squeeze %dma_start3A_285 : memref<1x112xi32, #tpu.memory_space<vmem>> -> memref<112xi32, #tpu.memory_space<vmem>>
      %dma_start3A_287 = arith.constant 0 : i32
      %dma_start3A_288 = arith.constant 0 : i32
      %dma_start3A_289 = tpu.memref_slice %arg11[%dma_start3A_287, %dma_start3A_288] : memref<10000x128xf32, #tpu.memory_space<vmem_shared>> -> memref<10000x128xf32, #tpu.memory_space<vmem_shared>>
      tpu.enqueue_indirect_dma source(%arg10 : memref<112x128xf32, #tpu.memory_space<vmem>>) target(%dma_start3A_289 : memref<10000x128xf32, #tpu.memory_space<vmem_shared>>) offsets(%dma_start3A_286 : memref<112xi32, #tpu.memory_space<vmem>>) semaphore(%arg23 : memref<!tpu.dma_semaphore, #tpu.memory_space<semaphore_mem>>) {add = true}
    }
    %scan3A_125 = arith.constant 60 : i32
    %dma_wait3A_126 = arith.constant 1 : i32
    %dma_wait3A_127 = arith.constant 0 : i32
    %dma_wait3A_128 = tpu.memref_slice %arg7[%dma_wait3A_126, %dma_wait3A_127] : memref<3x112xi32, #tpu.memory_space<vmem>> -> memref<1x112xi32, #tpu.memory_space<vmem>>
    %dma_wait3A_129 = tpu.memref_squeeze %dma_wait3A_128 : memref<1x112xi32, #tpu.memory_space<vmem>> -> memref<112xi32, #tpu.memory_space<vmem>>
    %dma_wait3A_130 = arith.constant 0 : i32
    %dma_wait3A_131 = arith.constant 0 : i32
    %dma_wait3A_132 = tpu.memref_slice %arg11[%dma_wait3A_130, %dma_wait3A_131] : memref<10000x128xf32, #tpu.memory_space<vmem_shared>> -> memref<10000x128xf32, #tpu.memory_space<vmem_shared>>
    tpu.wait_indirect_dma semaphore(%arg23 : memref<!tpu.dma_semaphore, #tpu.memory_space<semaphore_mem>>) src(%arg10 : memref<112x128xf32, #tpu.memory_space<vmem>>) dst(%dma_wait3A_132 : memref<10000x128xf32, #tpu.memory_space<vmem_shared>>)
    %barrier3A_133 = arith.constant 0 : index
    tpu.barrier barrier_id(%barrier3A_133)
    %scan3A_134 = arith.constant 0 : i32
    %scan3A_135 = arith.constant 8 : i32
    %scan3A_136 = arith.addi %scan3A_134, %scan3A_135 : i32
    %scan3A_137 = arith.constant 1 : i32
    scf.for %scan3A_139 = %scan3A_134 to %scan3A_136 step %scan3A_137  : i32 {
      %mul3A = arith.constant 1 : i32
      %mul3A_140 = arith.muli %scan3A_139, %mul3A : i32
      %add3A = arith.constant 0 : i32
      %add3A_141 = arith.addi %add3A, %mul3A_140 : i32
      %mul3A_142 = arith.constant 16 : i32
      %mul3A_143 = arith.muli %add3A_141, %mul3A_142 : i32
      %add3A_144 = arith.addi %mul3A_143, %arg1 : i32
      %lt3A = arith.constant 125 : i32
      %lt3A_145 = arith.cmpi slt, %add3A_144, %lt3A : i32
      %convert_element_type3A = arith.extui %lt3A_145 : i1 to i32
      %cond3A = arith.constant 0 : i32
      %cond3A_146 = arith.cmpi ne, %convert_element_type3A, %cond3A : i32
      scf.if %cond3A_146 {
        %mul3A_147 = arith.constant 80 : i32
        %mul3A_148 = arith.muli %add3A_144, %mul3A_147 : i32
        %mul3A_149 = arith.constant 80 : i32
        %mul3A_150 = arith.muli %add3A_144, %mul3A_149 : i32
        "tpu.region"() ({
          %run_scoped3A = tpu.sem_alloc : memref<!tpu.dma_semaphore, #tpu.memory_space<semaphore_mem>>
          %dma_start3A_151 = arith.constant 0 : i32
          %dma_start3A_152 = arith.constant 0 : i32
          %dma_start3A_153 = tpu.memref_slice %arg4[%arg0, %dma_start3A_151, %dma_start3A_152] : memref<2x10000x128xf32, #tpu.memory_space<hbm>> -> memref<1x10000x128xf32, #tpu.memory_space<hbm>>
          %dma_start3A_154 = tpu.memref_squeeze %dma_start3A_153 : memref<1x10000x128xf32, #tpu.memory_space<hbm>> -> memref<10000x128xf32, #tpu.memory_space<hbm>>
          %dma_start3A_155 = arith.constant 0 : i32
          %dma_start3A_156 = tpu.memref_slice %dma_start3A_154[%mul3A_150, %dma_start3A_155] : memref<10000x128xf32, #tpu.memory_space<hbm>> -> memref<80x128xf32, #tpu.memory_space<hbm>>
          %dma_start3A_157 = arith.constant 0 : i32
          %dma_start3A_158 = tpu.memref_slice %arg11[%mul3A_148, %dma_start3A_157] : memref<10000x128xf32, #tpu.memory_space<vmem_shared>> -> memref<80x128xf32, #tpu.memory_space<vmem_shared>>
          tpu.enqueue_dma source(%dma_start3A_158 : memref<80x128xf32, #tpu.memory_space<vmem_shared>>) target(%dma_start3A_156 : memref<80x128xf32, #tpu.memory_space<hbm>>) target_semaphore(%run_scoped3A : memref<!tpu.dma_semaphore, #tpu.memory_space<semaphore_mem>>)
          %dma_wait3A_159 = arith.constant 0 : i32
          %dma_wait3A_160 = arith.constant 0 : i32
          %dma_wait3A_161 = tpu.memref_slice %arg4[%arg0, %dma_wait3A_159, %dma_wait3A_160] : memref<2x10000x128xf32, #tpu.memory_space<hbm>> -> memref<1x10000x128xf32, #tpu.memory_space<hbm>>
          %dma_wait3A_162 = tpu.memref_squeeze %dma_wait3A_161 : memref<1x10000x128xf32, #tpu.memory_space<hbm>> -> memref<10000x128xf32, #tpu.memory_space<hbm>>
          %dma_wait3A_163 = arith.constant 0 : i32
          %dma_wait3A_164 = tpu.memref_slice %dma_wait3A_162[%mul3A_150, %dma_wait3A_163] : memref<10000x128xf32, #tpu.memory_space<hbm>> -> memref<80x128xf32, #tpu.memory_space<hbm>>
          %dma_wait3A_165 = arith.constant 0 : i32
          %dma_wait3A_166 = tpu.memref_slice %arg11[%mul3A_148, %dma_wait3A_165] : memref<10000x128xf32, #tpu.memory_space<vmem_shared>> -> memref<80x128xf32, #tpu.memory_space<vmem_shared>>
          tpu.wait_dma2 semaphore(%run_scoped3A : memref<!tpu.dma_semaphore, #tpu.memory_space<semaphore_mem>>) src(%dma_wait3A_166 : memref<80x128xf32, #tpu.memory_space<vmem_shared>>) dst(%dma_wait3A_164 : memref<80x128xf32, #tpu.memory_space<hbm>>)
          tpu.yield
        }) : () -> ()
      } else {
      }
    }
    %scan3A_138 = arith.constant 8 : i32
    return
  }
}

module attributes {stable_mosaic.version = 14 : i64} {
  func.func @_tc_body(%arg0: memref<2x10000x128xf32, #tpu.memory_space<vmem>>, %arg1: memref<128x128xf32, #tpu.memory_space<vmem>>, %arg2: memref<1x128xf32, #tpu.memory_space<vmem>>, %arg3: memref<1x1xf32, #tpu.memory_space<vmem>>, %arg4: memref<128x128xf32, #tpu.memory_space<vmem>>, %arg5: memref<1x128xf32, #tpu.memory_space<vmem>>, %arg6: memref<1x1xf32, #tpu.memory_space<vmem>>, %arg7: memref<128x128xf32, #tpu.memory_space<vmem>>, %arg8: memref<1x128xf32, #tpu.memory_space<vmem>>, %arg9: memref<1x128xf32, #tpu.memory_space<vmem>>, %arg10: memref<10000x128xf32, #tpu.memory_space<vmem>>) attributes {dimension_semantics = [], scalar_prefetch = 0 : i64, scratch_operands = 0 : i64, tpu.core_type = #tpu.core_type<tc>} {
    %get3A = arith.constant 0 : index
    %get3A_0 = arith.constant 0 : index
    %get3A_1 = arith.constant 0 : index
    %get3A_2 = vector.load %arg0[%get3A, %get3A_0, %get3A_1] : memref<2x10000x128xf32, #tpu.memory_space<vmem>>, vector<1x10000x128xf32>
    %get3A_3 = vector.shape_cast %get3A_2 : vector<1x10000x128xf32> to vector<10000x128xf32>
    %get3A_4 = arith.constant 0 : index
    %get3A_5 = arith.constant 0 : index
    %get3A_6 = vector.load %arg1[%get3A_4, %get3A_5] : memref<128x128xf32, #tpu.memory_space<vmem>>, vector<128x128xf32>
    %dot_general3A = arith.constant dense<0.000000e+00> : vector<10000x128xf32>
    %dot_general3A_7 = tpu.matmul %get3A_3, %get3A_6, %dot_general3A {dimension_numbers = #tpu.dot_dimension_numbers<[1], [1], [0], [0], [0, 0, 1, 0], [], []>, transpose_lhs_hint = false} : vector<10000x128xf32>, vector<128x128xf32>, vector<10000x128xf32> -> vector<10000x128xf32>
    %get3A_8 = arith.constant 0 : index
    %get3A_9 = arith.constant 0 : index
    %get3A_10 = vector.load %arg2[%get3A_8, %get3A_9] : memref<1x128xf32, #tpu.memory_space<vmem>>, vector<1x128xf32>
    %add3A = vector.broadcast %get3A_10 : vector<1x128xf32> to vector<10000x128xf32>
    %add3A_11 = arith.addf %dot_general3A_7, %add3A : vector<10000x128xf32>
    %gt3A = arith.constant 0.000000e+00 : f32
    %gt3A_12 = vector.broadcast %gt3A : f32 to vector<10000x128xf32>
    %gt3A_13 = arith.cmpf ogt, %add3A_11, %gt3A_12 : vector<10000x128xf32>
    %get3A_14 = arith.constant 0 : index
    %get3A_15 = arith.constant 0 : index
    %get3A_16 = vector.load %arg3[%get3A_14, %get3A_15] : memref<1x1xf32, #tpu.memory_space<vmem>>, vector<1x1xf32>
    %get3A_17 = vector.extract %get3A_16[0, 0] : f32 from vector<1x1xf32>
    %mul3A = vector.broadcast %get3A_17 : f32 to vector<10000x128xf32>
    %mul3A_18 = arith.mulf %mul3A, %add3A_11 : vector<10000x128xf32>
    %select_n3A = arith.select %gt3A_13, %add3A_11, %mul3A_18 : vector<10000x128xi1>, vector<10000x128xf32>
    %get3A_19 = arith.constant 1 : index
    %get3A_20 = arith.constant 0 : index
    %get3A_21 = arith.constant 0 : index
    %get3A_22 = vector.load %arg0[%get3A_19, %get3A_20, %get3A_21] : memref<2x10000x128xf32, #tpu.memory_space<vmem>>, vector<1x10000x128xf32>
    %get3A_23 = vector.shape_cast %get3A_22 : vector<1x10000x128xf32> to vector<10000x128xf32>
    %get3A_24 = arith.constant 0 : index
    %get3A_25 = arith.constant 0 : index
    %get3A_26 = vector.load %arg4[%get3A_24, %get3A_25] : memref<128x128xf32, #tpu.memory_space<vmem>>, vector<128x128xf32>
    %dot_general3A_27 = arith.constant dense<0.000000e+00> : vector<10000x128xf32>
    %dot_general3A_28 = tpu.matmul %get3A_23, %get3A_26, %dot_general3A_27 {dimension_numbers = #tpu.dot_dimension_numbers<[1], [1], [0], [0], [0, 0, 1, 0], [], []>, transpose_lhs_hint = false} : vector<10000x128xf32>, vector<128x128xf32>, vector<10000x128xf32> -> vector<10000x128xf32>
    %get3A_29 = arith.constant 0 : index
    %get3A_30 = arith.constant 0 : index
    %get3A_31 = vector.load %arg5[%get3A_29, %get3A_30] : memref<1x128xf32, #tpu.memory_space<vmem>>, vector<1x128xf32>
    %add3A_32 = vector.broadcast %get3A_31 : vector<1x128xf32> to vector<10000x128xf32>
    %add3A_33 = arith.addf %dot_general3A_28, %add3A_32 : vector<10000x128xf32>
    %gt3A_34 = arith.constant 0.000000e+00 : f32
    %gt3A_35 = vector.broadcast %gt3A_34 : f32 to vector<10000x128xf32>
    %gt3A_36 = arith.cmpf ogt, %add3A_33, %gt3A_35 : vector<10000x128xf32>
    %get3A_37 = arith.constant 0 : index
    %get3A_38 = arith.constant 0 : index
    %get3A_39 = vector.load %arg6[%get3A_37, %get3A_38] : memref<1x1xf32, #tpu.memory_space<vmem>>, vector<1x1xf32>
    %get3A_40 = vector.extract %get3A_39[0, 0] : f32 from vector<1x1xf32>
    %mul3A_41 = vector.broadcast %get3A_40 : f32 to vector<10000x128xf32>
    %mul3A_42 = arith.mulf %mul3A_41, %add3A_33 : vector<10000x128xf32>
    %select_n3A_43 = arith.select %gt3A_36, %add3A_33, %mul3A_42 : vector<10000x128xi1>, vector<10000x128xf32>
    %get3A_44 = arith.constant 0 : index
    %get3A_45 = arith.constant 0 : index
    %get3A_46 = vector.load %arg7[%get3A_44, %get3A_45] : memref<128x128xf32, #tpu.memory_space<vmem>>, vector<128x128xf32>
    %dot_general3A_47 = arith.constant dense<0.000000e+00> : vector<10000x128xf32>
    %dot_general3A_48 = tpu.matmul %select_n3A, %get3A_46, %dot_general3A_47 {dimension_numbers = #tpu.dot_dimension_numbers<[1], [1], [0], [0], [0, 0, 1, 0], [], []>, transpose_lhs_hint = false} : vector<10000x128xf32>, vector<128x128xf32>, vector<10000x128xf32> -> vector<10000x128xf32>
    %get3A_49 = arith.constant 0 : index
    %get3A_50 = arith.constant 0 : index
    %get3A_51 = vector.load %arg8[%get3A_49, %get3A_50] : memref<1x128xf32, #tpu.memory_space<vmem>>, vector<1x128xf32>
    %add3A_52 = vector.broadcast %get3A_51 : vector<1x128xf32> to vector<10000x128xf32>
    %add3A_53 = arith.addf %dot_general3A_48, %add3A_52 : vector<10000x128xf32>
    %tanh3A = math.tanh %add3A_53 : vector<10000x128xf32>
    %get3A_54 = arith.constant 0 : index
    %get3A_55 = arith.constant 0 : index
    %get3A_56 = vector.load %arg7[%get3A_54, %get3A_55] : memref<128x128xf32, #tpu.memory_space<vmem>>, vector<128x128xf32>
    %dot_general3A_57 = arith.constant dense<0.000000e+00> : vector<10000x128xf32>
    %dot_general3A_58 = tpu.matmul %select_n3A_43, %get3A_56, %dot_general3A_57 {dimension_numbers = #tpu.dot_dimension_numbers<[1], [1], [0], [0], [0, 0, 1, 0], [], []>, transpose_lhs_hint = false} : vector<10000x128xf32>, vector<128x128xf32>, vector<10000x128xf32> -> vector<10000x128xf32>
    %get3A_59 = arith.constant 0 : index
    %get3A_60 = arith.constant 0 : index
    %get3A_61 = vector.load %arg8[%get3A_59, %get3A_60] : memref<1x128xf32, #tpu.memory_space<vmem>>, vector<1x128xf32>
    %add3A_62 = vector.broadcast %get3A_61 : vector<1x128xf32> to vector<10000x128xf32>
    %add3A_63 = arith.addf %dot_general3A_58, %add3A_62 : vector<10000x128xf32>
    %tanh3A_64 = math.tanh %add3A_63 : vector<10000x128xf32>
    %reduce_sum3A = arith.constant dense<0.000000e+00> : vector<128xf32>
    %reduce_sum3A_65 = vector.multi_reduction <add>, %tanh3A, %reduce_sum3A [0] : vector<10000x128xf32> to vector<128xf32>
    %div3A = arith.constant 1.000000e+04 : f32
    %div3A_66 = vector.broadcast %div3A : f32 to vector<128xf32>
    %div3A_67 = arith.divf %reduce_sum3A_65, %div3A_66 : vector<128xf32>
    %reduce_sum3A_68 = arith.constant dense<0.000000e+00> : vector<128xf32>
    %reduce_sum3A_69 = vector.multi_reduction <add>, %tanh3A_64, %reduce_sum3A_68 [0] : vector<10000x128xf32> to vector<128xf32>
    %div3A_70 = arith.constant 1.000000e+04 : f32
    %div3A_71 = vector.broadcast %div3A_70 : f32 to vector<128xf32>
    %div3A_72 = arith.divf %reduce_sum3A_69, %div3A_71 : vector<128xf32>
    %get3A_73 = arith.constant 0 : index
    %get3A_74 = arith.constant 0 : index
    %get3A_75 = vector.load %arg9[%get3A_73, %get3A_74] : memref<1x128xf32, #tpu.memory_space<vmem>>, vector<1x128xf32>
    %get3A_76 = vector.shape_cast %get3A_75 : vector<1x128xf32> to vector<128xf32>
    %mul3A_77 = arith.mulf %get3A_76, %div3A_67 : vector<128xf32>
    %reduce_sum3A_78 = vector.shape_cast %mul3A_77 : vector<128xf32> to vector<1x128xf32>
    %reduce_sum3A_79 = arith.constant dense<0.000000e+00> : vector<1xf32>
    %reduce_sum3A_80 = vector.multi_reduction <add>, %reduce_sum3A_78, %reduce_sum3A_79 [1] : vector<1x128xf32> to vector<1xf32>
    %reduce_sum3A_81 = vector.shape_cast %reduce_sum3A_80 : vector<1xf32> to vector<1x1xf32>
    %reduce_sum3A_82 = vector.extract %reduce_sum3A_81[0, 0] : f32 from vector<1x1xf32>
    %get3A_83 = arith.constant 0 : index
    %get3A_84 = arith.constant 0 : index
    %get3A_85 = vector.load %arg9[%get3A_83, %get3A_84] : memref<1x128xf32, #tpu.memory_space<vmem>>, vector<1x128xf32>
    %get3A_86 = vector.shape_cast %get3A_85 : vector<1x128xf32> to vector<128xf32>
    %mul3A_87 = arith.mulf %get3A_86, %div3A_72 : vector<128xf32>
    %reduce_sum3A_88 = vector.shape_cast %mul3A_87 : vector<128xf32> to vector<1x128xf32>
    %reduce_sum3A_89 = arith.constant dense<0.000000e+00> : vector<1xf32>
    %reduce_sum3A_90 = vector.multi_reduction <add>, %reduce_sum3A_88, %reduce_sum3A_89 [1] : vector<1x128xf32> to vector<1xf32>
    %reduce_sum3A_91 = vector.shape_cast %reduce_sum3A_90 : vector<1xf32> to vector<1x1xf32>
    %reduce_sum3A_92 = vector.extract %reduce_sum3A_91[0, 0] : f32 from vector<1x1xf32>
    %max3A = arith.maximumf %reduce_sum3A_82, %reduce_sum3A_92 : f32
    %sub3A = arith.subf %reduce_sum3A_82, %max3A : f32
    %exp3A = math.exp %sub3A : f32
    %sub3A_93 = arith.subf %reduce_sum3A_92, %max3A : f32
    %exp3A_94 = math.exp %sub3A_93 : f32
    %add3A_95 = arith.addf %exp3A, %exp3A_94 : f32
    %div3A_96 = arith.constant 1.000000e+00 : f32
    %div3A_97 = arith.divf %div3A_96, %add3A_95 : f32
    %mul3A_98 = arith.mulf %exp3A, %div3A_97 : f32
    %mul3A_99 = vector.broadcast %mul3A_98 : f32 to vector<10000x128xf32>
    %mul3A_100 = arith.mulf %mul3A_99, %select_n3A : vector<10000x128xf32>
    %mul3A_101 = arith.mulf %exp3A_94, %div3A_97 : f32
    %mul3A_102 = vector.broadcast %mul3A_101 : f32 to vector<10000x128xf32>
    %mul3A_103 = arith.mulf %mul3A_102, %select_n3A_43 : vector<10000x128xf32>
    %add3A_104 = arith.addf %mul3A_100, %mul3A_103 : vector<10000x128xf32>
    %swap3A = arith.constant 0 : index
    %swap3A_105 = arith.constant 0 : index
    %swap3A_106 = vector.load %arg10[%swap3A, %swap3A_105] : memref<10000x128xf32, #tpu.memory_space<vmem>>, vector<10000x128xf32>
    tpu.vector_store %arg10[%swap3A, %swap3A_105], %add3A_104 {strides = array<i32>} : memref<10000x128xf32, #tpu.memory_space<vmem>>, vector<10000x128xf32>,
    return
  }
}

</mosaic_0001>

<sc_bundles>
// kernel: kernel.4.cloned.1.call-start
scs
__scs_entry_jumppad:
0x0: {  	(pc) =	sbr.rel $0x88, $3  }
0x1: {  	(tag) =	ssettag $0x0;
	lr =	simm.s32 $0x1  }
0x2: {  	[smem:$0x3F95] =	sst lr;
	_ =	strace $0xD0000000  }
0x3: {  	_ = 	snop  }
0x4: {  	_ = 	snop  }
0x5: {  	_ = 	snop  }
0x6: {  	_ = 	snop  }
0x7: {  	_ = 	snop  }
__scs_overlays_trampoline_lowered:
0x8: {  	[smem:$0x3FA4] =	sst s0  }
0x9: {  	[smem:$0x3FA5] =	sst s1  }
0xa: {  	[smem:$0x3FA6] =	sst s2  }
0xb: {  	[smem:$0x3FA7] =	sst s3  }
0xc: {  	[smem:$0x3FA8] =	sst s4  }
0xd: {  	[smem:$0x3FA9] =	sst s5  }
0xe: {  	[smem:$0x3FAA] =	sst s6  }
0xf: {  	[smem:$0x3FAB] =	sst s7  }
0x10: {  	[smem:$0x3FAC] =	sst s8  }
0x11: {  	[smem:$0x3FAD] =	sst s9;
	s0 =	simm.s32 @!p0 $0x0  }
0x12: {  	s1 =	sld [smem:$0x3F93];
	s0 =	simm.s32 @p0 $0x1  }
0x13: {  	[smem:$0x3FAE] =	sst s0;
	s0 =	simm.s32 @!p1 $0x0  }
0x14: {  	s2 =	sld [smem:$0x3F92];
	s0 =	simm.s32 @p1 $0x1  }
0x15: {  	[smem:$0x3FAF] =	sst s0;
	s0 =	simm.s32 @!p2 $0x0  }
0x16: {  	s3 =	sld [smem:$0x3FDB];
	s0 =	simm.s32 @p2 $0x1  }
0x17: {  	s4 =	simm.s32 $0x1BF5;
	[smem:$0x3FB1] =	sst s0  }
0x18: {  	s0 =	sld [smem:$0x3F94];
	_ =	swait.ge [sflag:s4], $0x0  }
0x19: {  	s7 =	sld [smem:$0x3F95]  }
0x1a: {  	s8 =	sadd.s32 $0xFFFFE003, lr  }
0x1b: {  	s9 =	sadd.s32 $0xFFFFFEF7, lr;
	s5 =	simm.s32 $0xFFFFFFFF;
	p2 =	slt.u32 s8, $0xFFFFF086  }
0x1c: {  	p1 =	slt.u32 s9, $0xF7A;
	s5 =	simm.s32 @!p2 $0x0  }
0x1d: {  	s5 =	simm.s32 @p1 $0x1;
	p0 =	seq.s32 s7, s2  }
0x1e: {  	s7 =	smul.u32 @!p0 $0xF7A, s2;
	p2 =	seq.s32 @!p0 s5, $0x0  }
0x1f: {  	s9 =	smul.u32 $0xF7A, s1;
	s8 =	simm.s32 @!p0 $0x1BF5;
	p2 =	por !p2, p0  }
0x20: {  	[sflag:s8] =	ssyncset.s32 @!p0 $0xFFFFF086;
	s6 =	sadd.s32 @!p0 s3, s7;
	s7 =	simm.s32 @!p0 $0x108  }
0x21: {  	s3 =	sadd.s32 s3, s9;
	s6 =	sadd.s32 @!p0 $0x88, s6;
	s7 =	simm.s32 @p2 $0x1082  }
0x22: {  	[simem:s7], [sflag:s8] =	dma.local @!p0 [hbm:s6], $0xF7A  }
0x23: {  	s9 =	sor.u32 $0xD0000000, s2;
	s6 =	simm.s32 $0x108;
	_ =	swait.ge @!p0 [sflag:s8], $0x0  }
0x24: {  	s3 =	sadd.s32 $0x88, s3;
	s6 =	simm.s32 @!p1 $0x1082;
	[sflag:s4] =	ssyncset.s32 $0xFFFFF086  }
0x25: {  	[simem:s6], [sflag:s4] =	dma.local [hbm:s3], $0xF7A  }
0x26: {  	[smem:$0x3F95] =	sst s1;
	(tag) =	ssettag s2;
	_ =	strace s9  }
0x27: {  	s1 =	sld [smem:$0x3FA5]  }
0x28: {  	s2 =	sld [smem:$0x3FA6]  }
0x29: {  	s4 =	sld [smem:$0x3FA8]  }
0x2a: {  	p0 =	seq.s32 s5, $0x0;
	s5 =	sld [smem:$0x3FA9]  }
0x2b: {  	s6 =	sld [smem:$0x3FAA]  }
0x2c: {  	s7 =	sld [smem:$0x3FAB]  }
0x2d: {  	s3 =	simm.s32 $0x108;
	s8 =	sld [smem:$0x3FAC]  }
0x2e: {  	s3 =	simm.s32 @!p0 $0x1082;
	s9 =	sld [smem:$0x3FAD]  }
0x2f: {  	lr =	sadd.s32 s0, s3;
	s0 =	sld [smem:$0x3FA4]  }
0x30: {  	s3 =	sld [smem:$0x3FA7]  }
0x31: {  	[smem:$0x3FB0] =	sst s10  }
0x32: {  	s10 =	sld [smem:$0x3FAE];
	_ =	sdelay $0x3  }
0x33: {  	p0 =	seq.s32 s10, $0x1;
	s10 =	sld [smem:$0x3FB0];
	_ =	sdelay $0x3  }
0x34: {  	[smem:$0x3FB0] =	sst s10  }
0x35: {  	s10 =	sld [smem:$0x3FAF];
	_ =	sdelay $0x3  }
0x36: {  	p1 =	seq.s32 s10, $0x1;
	s10 =	sld [smem:$0x3FB0];
	_ =	sdelay $0x3  }
0x37: {  	[smem:$0x3FB0] =	sst s10  }
0x38: {  	s10 =	sld [smem:$0x3FB1]  }
0x39: {  	_ = 	snop;
	(pc) =	sbr.ind lr, $3  }
0x3a: {  	_ = 	snop  }
0x3b: {  	_ = 	snop  }
0x3c: {  	p2 =	seq.s32 s10, $0x1;
	s10 =	sld [smem:$0x3FB0]  }
0x3d: {  	_ =	shalt  }
0x3e: {  	_ =	shalt  }
0x3f: {  	_ =	shalt  }
0x40: {  	_ =	shalt  }
0x41: {  	_ =	shalt  }
0x42: {  	_ =	shalt  }
0x43: {  	_ =	shalt  }
0x44: {  	_ =	shalt  }
0x45: {  	_ =	shalt  }
0x46: {  	_ =	shalt  }
0x47: {  	_ =	shalt  }
0x48: {  	_ =	shalt  }
0x49: {  	_ =	shalt  }
0x4a: {  	_ =	shalt  }
0x4b: {  	_ =	shalt  }
0x4c: {  	_ =	shalt  }
0x4d: {  	_ =	shalt  }
0x4e: {  	_ =	shalt  }
0x4f: {  	_ =	shalt  }
0x50: {  	_ =	shalt  }
0x51: {  	_ =	shalt  }
0x52: {  	_ =	shalt  }
0x53: {  	_ =	shalt  }
0x54: {  	_ =	shalt  }
0x55: {  	_ =	shalt  }
0x56: {  	_ =	shalt  }
0x57: {  	_ =	shalt  }
0x58: {  	_ =	shalt  }
0x59: {  	_ =	shalt  }
0x5a: {  	_ =	shalt  }
0x5b: {  	_ =	shalt  }
0x5c: {  	_ =	shalt  }
0x5d: {  	_ =	shalt  }
0x5e: {  	_ =	shalt  }
0x5f: {  	_ =	shalt  }
0x60: {  	_ =	shalt  }
0x61: {  	_ =	shalt  }
0x62: {  	_ =	shalt  }
0x63: {  	_ =	shalt  }
0x64: {  	_ =	shalt  }
0x65: {  	_ =	shalt  }
0x66: {  	_ =	shalt  }
0x67: {  	_ =	shalt  }
0x68: {  	_ =	shalt  }
0x69: {  	_ =	shalt  }
0x6a: {  	_ =	shalt  }
0x6b: {  	_ =	shalt  }
0x6c: {  	_ =	shalt  }
0x6d: {  	_ =	shalt  }
0x6e: {  	_ =	shalt  }
0x6f: {  	_ =	shalt  }
0x70: {  	_ =	shalt  }
0x71: {  	_ =	shalt  }
0x72: {  	_ =	shalt  }
0x73: {  	_ =	shalt  }
0x74: {  	_ =	shalt  }
0x75: {  	_ =	shalt  }
0x76: {  	_ =	shalt  }
0x77: {  	_ =	shalt  }
0x78: {  	_ =	shalt  }
0x79: {  	_ =	shalt  }
0x7a: {  	_ =	shalt  }
0x7b: {  	_ =	shalt  }
0x7c: {  	_ =	shalt  }
0x7d: {  	_ =	shalt  }
0x7e: {  	_ =	shalt  }
0x7f: {  	_ =	shalt  }
0x80: {  	_ =	shalt  }
0x81: {  	_ =	shalt  }
0x82: {  	_ =	shalt  }
0x83: {  	_ =	shalt  }
0x84: {  	_ =	shalt  }
0x85: {  	_ =	shalt  }
0x86: {  	_ =	shalt  }
0x87: {  	_ =	shalt  }
.Lfunc_end0:
.L_simem_size_0:
called_computation_lowered:
.L_overlay_start_0:
0x88: {  	s2 =	sld [smem:$0x3FD9]  }
0x89: {  	s3 =	sld [smem:$0x3FFE];
	_ =	sdelay $0x1  }
0x8a: {  	s1 =	srdreg.scid  }
0x8b: {  	s0 =	sand.u32 $0x1, s1  }
0x8c: {  	s17 =	sshll.u32 s0, $0xA;
	s2 =	sadd.s32 s3, s2  }
0x8d: {  	s2 =	sadd.s32 s2, s17  }
0x8e: {  	[smem:$0x3FBC] =	sst s2  }
0x8f: {  	_ = 	snop  }
0x90: {  	s2 =	sld [smem:$0x3FC9];
	(tm) =	ssettm $0x1  }
0x91: {  	s18 =	sld [smem:$0x3FFB];
	_ =	sdelay $0x3  }
0x92: {  	_ =	strace s18  }
0x93: {  	s3 =	sld [smem:$0x3FFC];
	_ =	sdelay $0x3  }
0x94: {  	_ =	strace s3  }
0x95: {  	s3 =	sld [smem:$0x3FFD];
	_ =	sdelay $0x3  }
0x96: {  	_ =	strace s3  }
0x97: {  	_ =	strace $0x8FFFFFFF  }
0x98: {  	s19 =	sld [smem:$0x3FDB];
	_ =	sdelay $0x1  }
0x99: {  	s4 =	simm.s32 $_scs_section_size  }
0x9a: {  	s5 =	simm.s32 $_size__tile_overlayer_lowered;
	s6 =	simm.s32 $_tile_overlayer_lowered  }
0x9b: {  	s22 =	simm.s32 $0x1BFF;
	s21 =	sshll.u32 s6, $0x1;
	s3 =	sadd.s32 s4, s19  }
0x9c: {  	s7 =	simm.s32 $0x0;
	s20 =	sshll.u32 s5, $0x1;
	s5 =	sadd.s32 s21, s3  }
0x9d: {  	[timem:s7], [sflag:s22] =	dma.local [hbm:s5], s20  }
0x9e: {  	_ =	swait.ge [sflag:s22], s20  }
0x9f: {  	s4 =	ssub.s32 $0x0, s20;
	[sflag:s22] =	ssyncset.done $0x0  }
0xa0: {  	[sflag:s22] =	ssyncadd.s32 s4;
	_ =	sdelay $0x1  }
0xa1: {  	s23 =	simm.s32 $0x1B8B  }
0xa2: {  	_ =	swait.ge [sflag:s23], $0x1  }
0xa3: {  	[sflag:s23] =	ssyncset.done $0x0  }
0xa4: {  	s25 =	simm.s32 $0x1B8E;
	s24 =	sld [smem:$0x3FFE];
	[sflag:s23] =	ssyncadd.s32 $0xFFFFFFFF  }
0xa5: {  	s26 =	simm.s32 $execute0_lowered;
	[smem:$0x3FD2] =	sst s25  }
0xa6: {  	s5 =	sshll.u32 s26, $0x1;
	_ =	strace $0x80000046;
	[dreg:$0x1] =	wrdreg $0xFFFFFFFF  }
0xa7: {  	s28 =	simm.s32 $_size_execute0_lowered;
	s3 =	sadd.s32 s3, s5;
	[dreg:$0x0] =	wrdreg $0x0  }
0xa8: {  	s5 =	sshll.u32 s28, $0x1;
	[dreg:$0x2] =	wrdreg s3  }
0xa9: {  	[dreg:$0x3] =	wrdreg s5  }
0xaa: {  	[dreg:$0x4] =	wrdreg $0xC0  }
0xab: {  	_ =	task [dreg:s7], $0x5FFFF  }
0xac: {  	[dreg:$0x1] =	wrdreg $0xFFFFFFFF  }
0xad: {  	[dreg:$0x0] =	wrdreg $0x60  }
0xae: {  	[dreg:$0x2] =	wrdreg s2  }
0xaf: {  	[dreg:$0x3] =	wrdreg s24  }
0xb0: {  	[dreg:$0x4] =	wrdreg $0xAE000  }
0xb1: {  	[dreg:$0x5] =	wrdreg $0x9  }
0xb2: {  	_ =	task.clear_ibuf [dreg:s7], $0x6FFFF;
	_ =	strace $0x90000046  }
0xb3: {  	s29 =	simm.s32 $0x9;
	_ =	strace $0x80000048  }
0xb4: {  	_ =	swait.ge [sflag:s29], $0x1  }
0xb5: {  	[sflag:s29] =	ssyncadd.s32 $0xFFFFFFFF  }
0xb6: {  	_ =	strace $0x90000048  }
0xb7: {  	_ =	sfence  }
0xb8: {  	s30 =	sld [smem:$0x0];
	_ =	sdelay $0x2  }
0xb9: {  	s31 =	sshll.u32 s1, $0xD;
	s1 =	sshrl.u32 s1, $0x2  }
0xba: {  	s3 =	sand.u32 $0x4000, s31;
	s1 =	sadd.s32 s1, s30  }
0xbb: {  	s0 =	sor.u32 s3, s0;
	s1 =	sshll.u32 s1, $0x11  }
0xbc: {  	s0 =	sor.u32 s1, s0  }
0xbd: {  	s0 =	sadd.s32 $0x8F2B, s0  }
0xbe: {  	[sflag:s0] =	ssyncadd.remote.s32 $0x1  }
0xbf: {  	_ =	sfence.sel $0xFFFF  }
0xc0: {  	[dreg:$0x0] =	wrdreg $0xFFFFFFFF;
	(pc) =	sbr.abs _section_cstart, $3  }
0xc1: {  	[dreg:$0x1] =	wrdreg $0xFFFFFFFF  }
0xc2: {  	_ =	task.clear_ibuf [dreg:s7], $0x2FFFF;
	_ =	strace $0x9FFFFFFF  }
0xc3: {  	(tm) =	ssettm $0x7FFFFFFF  }
tec
execute0_lowered:
.L_overlay_start_1:
0x0: {  	(tag) =	ssettag $0x1  }
0x1: {  	s19 =	stileid.u32  }
0x2: {  	s0 =	rddreg [dreg:$0x0];
	s7 =	smul.u32 $0x2D00, s19  }
0x3: {  	s1 =	srdreg.scid;
	s8 =	smul.u32 $0xA000, s19  }
0x4: {  	s2 =	rddreg [dreg:$0x1];
	s1 =	sand.u32 $0x1, s1;
	s11 =	smul.u32 $0x500, s19  }
0x5: {  	s3 =	rddreg [dreg:$0x2];
	s5 =	smul.u32 $0x2D000, s1  }
0x6: {  	s4 =	simm.s32 $0x0;
	s9 =	sor.u32 $0x10, s19;
	s6 =	smul.u32 $0x27100, s1  }
0x7: {  	s28 =	simm.s32 $0x200;
	s30 =	simm.s32 $0x38;
	s10 =	smul.u32 $0xA000, s9  }
0x8: {  	s31 =	simm.s32 $0x600;
	s12 =	sor.u32 $0x30, s19;
	s9 =	smul.u32 $0x500, s9  }
0x9: {  	[smem:$0x7FF] =	sst s4;
	s18 =	sor.u32 $0x40, s19;
	s15 =	smul.u32 $0x500, s12  }
0xa: {  	_ =	strace $0x80000047;
	s1 =	ssub.s32 $0x2, s1;
	s16 =	smul.u32 $0x500, s18  }
0xb: {  	s14 =	sshrl.u32 s1, $0x1;
	s8 =	sshrl.u32 s8, $0x2;
	s5 =	sadd.s32 s5, s2  }
0xc: {  	s2 =	sadd.s32 s6, s2;
	s6 =	sor.u32 $0x20, s19;
	s1 =	ssub.s32 s1, s14  }
0xd: {  	s14 =	sor.u32 $0x50, s19;
	s13 =	smul.u32 $0x500, s6;
	s5 =	sadd.s32 s7, s5  }
0xe: {  	s7 =	sor.u32 $0x60, s19;
	s17 =	smul.u32 $0x500, s14;
	s19 =	sor.u32 $0x70, s19  }
0xf: {  	s2 =	sadd.s32 $0x5BA00, s2;
	s6 =	smul.u32 $0xA000, s6;
	s1 =	smax.u32 s1, $0x1  }
0x10: {  	s14 =	smul.u32 $0xA000, s14;
	s20 =	sadd.s32 $0x1A00, s5;
	[dreg:$0xe] =	wrdreg s1  }
0x11: {  	s22 =	smul.u32 $0x500, s7;
	s21 =	sadd.s32 $0x1A40, s5;
	[dreg:$0x4] =	wrdreg s20  }
0x12: {  	p0 =	sgt.u32 s19, $0x7C;
	s11 =	sadd.s32 s11, s2;
	[dreg:$0x5] =	wrdreg s21  }
0x13: {  	s9 =	sadd.s32 s9, s2;
	s24 =	sadd.s32 s15, s2;
	[dreg:$0x6] =	wrdreg s11  }
0x14: {  	s25 =	sadd.s32 s16, s2;
	s15 =	sadd.s32 $0x1A80, s5;
	[dreg:$0x7] =	wrdreg s9  }
0x15: {  	s16 =	sadd.s32 $0x1AC0, s5;
	s21 =	smul.u32 $0x500, s19;
	[dreg:$0x9] =	wrdreg s24  }
0x16: {  	s23 =	sadd.s32 s13, s2;
	[dreg:$0xa] =	wrdreg s25;
	s9 =	smul.u32 $0xA000, s12  }
0x17: {  	s26 =	sadd.s32 s17, s2;
	s17 =	sadd.s32 $0x1B00, s5;
	s11 =	smul.u32 $0xA000, s18  }
0x18: {  	s13 =	sadd.s32 s8, s3;
	s12 =	sshrl.u32 s10, $0x2;
	s20 =	smul.u32 $0xA000, s7  }
0x19: {  	s10 =	simm.s32 $0x7;
	s8 =	simm.s32 $0x0;
	[dreg:$0x8] =	wrdreg s23  }
0x1a: {  	[dreg:$0xb] =	wrdreg s26;
	s29 =	sadd.s32 s22, s2;
	s18 =	sadd.s32 s12, s3  }
0x1b: {  	s22 =	smul.u32 $0xA000, s19;
	s23 =	sshrl.u32 s14, $0x2;
	s12 =	simm.s32 $0x70  }
0x1c: {  	s14 =	simm.s32 $0x3;
	s19 =	simm.s32 $0x5;
	[dreg:$0xf] =	wrdreg s13  }
0x1d: {  	[dreg:$0xc] =	wrdreg s29;
	s2 =	sadd.s32 @!p0 s21, s2;
	s21 =	sshrl.u32 s9, $0x2  }
0x1e: {  	s1 =	sshrl.u32 s11, $0x2;
	s24 =	sshrl.u32 s20, $0x2;
	s9 =	simm.s32 $0x4  }
0x1f: {  	s11 =	simm.s32 $0x400;
	s20 =	simm.s32 $0x8;
	[dreg:$0x10] =	wrdreg s18  }
0x20: {  	[dreg:$0xd] =	wrdreg s2;
	s2 =	sshrl.u32 s6, $0x2;
	s5 =	sadd.s32 s21, s3  }
0x21: {  	s1 =	sadd.s32 s1, s3;
	s25 =	sshrl.u32 s22, $0x2;
	s21 =	simm.s32 $0xA  }
0x22: {  	s22 =	simm.s32 $0x6;
	s26 =	sadd.s32 s2, s3;
	[dreg:$0x12] =	wrdreg s5  }
.Ltmp0:
0x23: {  	[dreg:$0x13] =	wrdreg s1;
	s1 =	sadd.s32 s23, s3;
	(pc) =	sbr.rel .LBB2_1-.Ltmp0, $4  }
0x24: {  	s29 =	sadd.s32 s25, s3;
	s2 =	simm.s32 $0xD;
	[dreg:$0x14] =	wrdreg s1  }
0x25: {  	s5 =	simm.s32 $0x2;
	s23 =	simm.s32 $0x9;
	[dreg:$0x16] =	wrdreg s29  }
0x26: {  	s25 =	simm.s32 $0x480;
	s1 =	sadd.s32 s24, s3;
	[dreg:$0x11] =	wrdreg s26  }
0x27: {  	v0 =	vimm.f32 $0.0e+00;
	s24 =	simm.s32 $0xB;
	[dreg:$0x15] =	wrdreg s1;
	s1 =	simm.s32 $0x7600  }
.LBB2_12:
0x28: {  	[spmem:s3] =	stream.indirect.scatter.add.f32 [tilespmem:s1], [sflag:$0xC], $0x80, s25, s12, $0xb8;
	[tilespmem:$0x1E680] =	vst v63  }
0x29: {  	s6 =	simm.s32 $0xC  }
0x2a: {  	_ =	swait.ge [sflag:s6], $0x3800  }
0x2b: {  	[sflag:s6] =	ssyncset.done $0x0  }
0x2c: {  	[sflag:s6] =	ssyncadd.s32 $0xFFFFC800  }
0x2d: {  	s18 =	stileid.u32;
	[bflag:$0x0] =	sbarrier.arrive $0xFFFF  }
0x2e: {  	s6 =	sshll.u32 s18, $0x6;
	s13 =	rddreg [dreg:$0xf]  }
0x2f: {  	s6 =	sor.u32 $0x1C0D, s6;
	s8 =	rddreg [dreg:$0x6];
	s7 =	sshrl.u32 s13, $0x3  }
0x30: {  	[hbm:s8], [sflag:s6] =	dma.local [spmem:s7], $0x500  }
0x31: {  	_ =	swait.ge [sflag:s2], $0x500  }
0x32: {  	[sflag:s2] =	ssyncset.done $0x0;
	s18 =	rddreg [dreg:$0x10]  }
0x33: {  	s29 =	rddreg [dreg:$0x7];
	[sflag:s2] =	ssyncadd.s32 $0xFFFFFB00;
	s26 =	sshrl.u32 s18, $0x3  }
0x34: {  	[hbm:s29], [sflag:s6] =	dma.local [spmem:s26], $0x500  }
0x35: {  	_ =	swait.ge [sflag:s2], $0x500  }
0x36: {  	[sflag:s2] =	ssyncset.done $0x0;
	s26 =	rddreg [dreg:$0x11]  }
0x37: {  	s29 =	rddreg [dreg:$0x8];
	[sflag:s2] =	ssyncadd.s32 $0xFFFFFB00;
	s8 =	sshrl.u32 s26, $0x3  }
0x38: {  	[hbm:s29], [sflag:s6] =	dma.local [spmem:s8], $0x500  }
0x39: {  	_ =	swait.ge [sflag:s2], $0x500  }
0x3a: {  	[sflag:s2] =	ssyncset.done $0x0;
	s8 =	rddreg [dreg:$0x12]  }
0x3b: {  	s29 =	rddreg [dreg:$0x9];
	[sflag:s2] =	ssyncadd.s32 $0xFFFFFB00;
	s7 =	sshrl.u32 s8, $0x3  }
0x3c: {  	[hbm:s29], [sflag:s6] =	dma.local [spmem:s7], $0x500  }
0x3d: {  	_ =	swait.ge [sflag:s2], $0x500  }
0x3e: {  	[sflag:s2] =	ssyncset.done $0x0;
	s8 =	rddreg [dreg:$0x13]  }
0x3f: {  	s29 =	rddreg [dreg:$0xa];
	[sflag:s2] =	ssyncadd.s32 $0xFFFFFB00;
	s7 =	sshrl.u32 s8, $0x3  }
0x40: {  	[hbm:s29], [sflag:s6] =	dma.local [spmem:s7], $0x500  }
0x41: {  	_ =	swait.ge [sflag:s2], $0x500  }
0x42: {  	[sflag:s2] =	ssyncset.done $0x0;
	s8 =	rddreg [dreg:$0x14]  }
0x43: {  	s29 =	rddreg [dreg:$0xb];
	[sflag:s2] =	ssyncadd.s32 $0xFFFFFB00;
	s7 =	sshrl.u32 s8, $0x3  }
0x44: {  	[hbm:s29], [sflag:s6] =	dma.local [spmem:s7], $0x500  }
0x45: {  	_ =	swait.ge [sflag:s2], $0x500  }
0x46: {  	[sflag:s2] =	ssyncset.done $0x0;
	s8 =	rddreg [dreg:$0x15]  }
0x47: {  	s29 =	rddreg [dreg:$0xc];
	[sflag:s2] =	ssyncadd.s32 $0xFFFFFB00;
	s7 =	sshrl.u32 s8, $0x3  }
0x48: {  	[hbm:s29], [sflag:s6] =	dma.local [spmem:s7], $0x500  }
0x49: {  	_ =	swait.ge [sflag:s2], $0x500  }
0x4a: {  	[sflag:s2] =	ssyncset.done $0x0;
	s7 =	rddreg [dreg:$0x16]  }
0x4b: {  	s8 =	rddreg [dreg:$0xd];
	[sflag:s2] =	ssyncadd.s32 $0xFFFFFB00;
	s7 =	sshrl.u32 @!p0 s7, $0x3  }
0x4c: {  	[hbm:s8], [sflag:s6] =	dma.local @!p0 [spmem:s7], $0x500  }
0x4d: {  	s6 =	simm.s32 @!p0 $0xD  }
0x4e: {  	_ =	swait.ge @!p0 [sflag:s6], $0x500  }
0x4f: {  	s7 =	rddreg [dreg:$0x17]  }
0x50: {  	s29 =	rddreg [dreg:$0xe];
	s8 =	sadd.s32 $0x1, s7  }
0x51: {  	p1 =	sne.s32 s8, s29  }
.Ltmp1:
0x52: {  	_ = 	snop;
	(pc) =	sbr.rel @!p1 .LBB2_13-.Ltmp1, $3  }
0x53: {  	_ =	sdelay $0x1  }
0x54: {  	[sflag:s6] =	ssyncset.done @!p0 $0x0  }
0x55: {  	[sflag:s6] =	ssyncadd.s32 @!p0 $0xFFFFFB00  }
.LBB2_1:
0x56: {  	[dreg:$0x17] =	wrdreg s8  }
0x57: {  	s6 =	rddreg [dreg:$0x4]  }
0x58: {  	[tilespmem:s4], [sflag:$0x1] =	stream.linear.gather [hbm4b:s6+s4], $0x180, $0x38;
	[tilespmem:$0x1E680] =	vst v63  }
0x59: {  	s7 =	rddreg [dreg:$0x5];
	s8 =	simm.s32 $0x1  }
0x5a: {  	[tilespmem:s28], [sflag:$0x2] =	stream.linear.gather [hbm4b:s7+s4], $0x180, $0x38;
	[tilespmem:$0x1E680] =	vst v63  }
0x5b: {  	_ =	swait.ge [sflag:s8], $0x180  }
0x5c: {  	[sflag:s8] =	ssyncset.done $0x0  }
0x5d: {  	[sflag:s8] =	ssyncadd.s32 $0xFFFFFE80  }
0x5e: {  	[tilespmem:s31], [sflag:$0x4] =	stream.indirect.gather [hbm4b:s0+s30], $0x80, s4, s30, $0xb8;
	[tilespmem:$0x1E680] =	vst v63  }
0x5f: {  	s29 =	simm.s32 $0x2200;
	s6 =	simm.s32 $0x0;
	s7 =	simm.s32 $0x200  }
0x60: {  	[tilespmem:s29], [sflag:$0x7] =	stream.indirect.gather [hbm4b:s0+s30], $0x80, s30, s30, $0xb8;
	[tilespmem:$0x1E680] =	vst v63  }
.LBB2_2:
0x61: {  	p1 =	sne.s32 s7, $0x9E00;
	[tilespmem:s6+$0x7670] =	vst v0  }
0x62: {  	[tilespmem:s6+$0x7600] =	vst v0  }
0x63: {  	[tilespmem:s6+$0x7610] =	vst v0  }
.Ltmp2:
0x64: {  	[tilespmem:s6+$0x7620] =	vst v0;
	(pc) =	sbr.rel @p1 .LBB2_2-.Ltmp2, $4  }
0x65: {  	[tilespmem:s6+$0x7630] =	vst v0  }
0x66: {  	[tilespmem:s6+$0x7640] =	vst v0  }
0x67: {  	[tilespmem:s6+$0x7650] =	vst v0  }
0x68: {  	[tilespmem:s6+$0x7660] =	vst v0;
	s6 =	sshra.s32 s7, $0x2;
	s7 =	sadd.s32 $0x200, s7  }
0x69: {  	[tilespmem:s6+$0x7670] =	vst v0  }
0x6a: {  	[tilespmem:s6+$0x7600] =	vst v0  }
0x6b: {  	[tilespmem:s6+$0x7610] =	vst v0  }
0x6c: {  	[tilespmem:s6+$0x7620] =	vst v0  }
0x6d: {  	[tilespmem:s6+$0x7630] =	vst v0  }
0x6e: {  	[tilespmem:s6+$0x7640] =	vst v0  }
0x6f: {  	[tilespmem:s6+$0x7650] =	vst v0  }
0x70: {  	[tilespmem:s6+$0x7660] =	vst v0  }
0x71: {  	[spmem:s13] =	stream.linear.scatter [tilespmem:s1], [sflag:$0xD], $0x2800, $0x38;
	[tilespmem:$0x1E680] =	vst v63  }
0x72: {  	_ =	swait.ge [sflag:s2], $0x2800  }
0x73: {  	[sflag:s2] =	ssyncset.done $0x0  }
0x74: {  	[sflag:s2] =	ssyncadd.s32 $0xFFFFD800  }
0x75: {  	[spmem:s18] =	stream.linear.scatter [tilespmem:s1], [sflag:$0xD], $0x2800, $0x38;
	[tilespmem:$0x1E680] =	vst v63  }
0x76: {  	_ =	swait.ge [sflag:s2], $0x2800  }
0x77: {  	[sflag:s2] =	ssyncset.done $0x0  }
0x78: {  	[sflag:s2] =	ssyncadd.s32 $0xFFFFD800  }
0x79: {  	[spmem:s26] =	stream.linear.scatter [tilespmem:s1], [sflag:$0xD], $0x2800, $0x38;
	[tilespmem:$0x1E680] =	vst v63  }
0x7a: {  	_ =	swait.ge [sflag:s2], $0x2800  }
0x7b: {  	[sflag:s2] =	ssyncset.done $0x0  }
0x7c: {  	s13 =	rddreg [dreg:$0x12];
	[sflag:s2] =	ssyncadd.s32 $0xFFFFD800  }
0x7d: {  	[spmem:s13] =	stream.linear.scatter [tilespmem:s1], [sflag:$0xD], $0x2800, $0x38;
	[tilespmem:$0x1E680] =	vst v63  }
0x7e: {  	_ =	swait.ge [sflag:s2], $0x2800  }
0x7f: {  	[sflag:s2] =	ssyncset.done $0x0  }
0x80: {  	s18 =	rddreg [dreg:$0x13];
	[sflag:s2] =	ssyncadd.s32 $0xFFFFD800  }
0x81: {  	[spmem:s18] =	stream.linear.scatter [tilespmem:s1], [sflag:$0xD], $0x2800, $0x38;
	[tilespmem:$0x1E680] =	vst v63  }
0x82: {  	_ =	swait.ge [sflag:s2], $0x2800  }
0x83: {  	[sflag:s2] =	ssyncset.done $0x0  }
0x84: {  	s26 =	rddreg [dreg:$0x14];
	[sflag:s2] =	ssyncadd.s32 $0xFFFFD800  }
0x85: {  	[spmem:s26] =	stream.linear.scatter [tilespmem:s1], [sflag:$0xD], $0x2800, $0x38;
	[tilespmem:$0x1E680] =	vst v63  }
0x86: {  	_ =	swait.ge [sflag:s2], $0x2800  }
0x87: {  	[sflag:s2] =	ssyncset.done $0x0  }
0x88: {  	s29 =	rddreg [dreg:$0x15];
	[sflag:s2] =	ssyncadd.s32 $0xFFFFD800  }
0x89: {  	[spmem:s29] =	stream.linear.scatter [tilespmem:s1], [sflag:$0xD], $0x2800, $0x38;
	[tilespmem:$0x1E680] =	vst v63  }
0x8a: {  	_ =	swait.ge [sflag:s2], $0x2800  }
0x8b: {  	[sflag:s2] =	ssyncset.done $0x0  }
0x8c: {  	s6 =	simm.s32 @!p0 $0x7600;
	s7 =	rddreg [dreg:$0x16];
	[sflag:s2] =	ssyncadd.s32 $0xFFFFD800  }
0x8d: {  	[spmem:s7] =	stream.linear.scatter @!p0 [tilespmem:s6], [sflag:$0xD], $0x2800, $0x38;
	[tilespmem:$0x1E680] =	vst v63  }
0x8e: {  	s6 =	simm.s32 @!p0 $0xD  }
0x8f: {  	_ =	swait.ge @!p0 [sflag:s6], $0x2800  }
0x90: {  	[sflag:s6] =	ssyncset.done @!p0 $0x0  }
0x91: {  	[sflag:s6] =	ssyncadd.s32 @!p0 $0xFFFFD800  }
0x92: {  	s26 =	simm.s32 $0x0;
	s6 =	simm.s32 $0x0;
	[bflag:$0x0] =	sbarrier.arrive $0xFFFF  }
.LBB2_4:
0x93: {  	_ =	swait.ge [sflag:s5], $0x180  }
0x94: {  	[sflag:s5] =	ssyncset.done $0x0  }
0x95: {  	s7 =	simm.s32 $0x3E00;
	s8 =	simm.s32 $0x3;
	[sflag:s5] =	ssyncadd.s32 $0xFFFFFE80  }
0x96: {  	v1 =	vmov s26;
	[tilespmem:s7], [sflag:$0x5] =	stream.indirect.gather [hbm4b:s0+s30], $0x80, s28, s30, $0xb8;
	[tilespmem:$0x1E680] =	vst v63  }
0x97: {  	s13 =	simm.s32 $0x238;
	v1 =	vand.u32 $0x7C, v1;
	v2 =	vmov s8;
	s8 =	simm.s32 $0x5A00  }
0x98: {  	v1 =	vor.u32 $0x100, v1;
	v2 =	vand.u32 $0x7F, v2;
	[tilespmem:s8], [sflag:$0x8] =	stream.indirect.gather [hbm4b:s0+s30], $0x80, s13, s30, $0xb8;
	[tilespmem:$0x1E680] =	vst v63  }
0x99: {  	v1 =	vbroadcast v1, $0x0;
	v2 =	vor.u32 $0x100, v2;
	_ =	swait.ge [sflag:s9], $0x1C00  }
0x9a: {  	v2 =	vbroadcast v2, $0x0;
	[sflag:s9] =	ssyncset.done $0x0  }
0x9b: {  	[sflag:s9] =	ssyncadd.s32 $0xFFFFE400  }
0x9c: {  	_ =	swait.ge [sflag:s10], $0x1C00  }
0x9d: {  	[sflag:s10] =	ssyncset.done $0x0  }
0x9e: {  	[sflag:s10] =	ssyncadd.s32 $0xFFFFE400  }
0x9f: {  	s18 =	simm.s32 $0x1;
	v3 =	vld.idx.msk [tilespmem:v1+s4+$0x0], $0xffff  }
0xa0: {  	v4 =	vmov s18;
	s7 =	simm.s32 $0x700;
	v1 =	vld.idx.msk [tilespmem:v2+s4+$0x0], $0xffff  }
0xa1: {  	v2 =	vand.u32 $0x7D, v4;
	v4 =	vld [tilespmem:s7+$0xF0]  }
0xa2: {  	v5 =	vld [tilespmem:s7+$0xFFFFFF00]  }
0xa3: {  	v6 =	vld [tilespmem:s7+$0xFFFFFF10];
	v2 =	vor.u32 $0x100, v2  }
0xa4: {  	v7 =	vld [tilespmem:s7+$0xFFFFFF20];
	v2 =	vbroadcast v2, $0x0  }
0xa5: {  	v8 =	vld [tilespmem:s7+$0xFFFFFF30]  }
0xa6: {  	v9 =	vld [tilespmem:s7+$0xFFFFFF40]  }
0xa7: {  	v10 =	vld [tilespmem:s7+$0xFFFFFF50];
	v5 =	vmul.f32 v3, v5  }
0xa8: {  	v11 =	vld [tilespmem:s7+$0xFFFFFF60]  }
0xa9: {  	s29 =	simm.s32 $0x2;
	v4 =	vmul.f32 v1, v4;
	[tilespmem:s7+$0xFFFFFF00] =	vst v5;
	v5 =	vld [tilespmem:s7+$0xFFFFFF70]  }
0xaa: {  	v12 =	vmov s29;
	v6 =	vmul.f32 v3, v6;
	v13 =	vld.idx.msk [tilespmem:v2+s4+$0x0], $0xffff  }
0xab: {  	[tilespmem:s7+$0xF0] =	vst v4;
	v4 =	vmul.f32 v3, v7;
	v2 =	vand.u32 $0x7E, v12;
	v12 =	vld [tilespmem:s7+$0xFFFFFF80]  }
0xac: {  	v7 =	vld [tilespmem:s7+$0xFFFFFF90];
	[tilespmem:s7+$0xFFFFFF10] =	vst v6;
	v6 =	vmul.f32 v3, v8;
	v2 =	vor.u32 $0x100, v2  }
0xad: {  	v8 =	vld [tilespmem:s7+$0xFFFFFFA0];
	[tilespmem:s7+$0xFFFFFF20] =	vst v4;
	v4 =	vmul.f32 v3, v9;
	v2 =	vbroadcast v2, $0x0  }
0xae: {  	v9 =	vld [tilespmem:s7+$0xFFFFFFB0];
	[tilespmem:s7+$0xFFFFFF30] =	vst v6;
	v6 =	vmul.f32 v3, v10  }
0xaf: {  	v11 =	vmul.f32 v3, v11;
	v10 =	vld [tilespmem:s7+$0xFFFFFFC0];
	[tilespmem:s7+$0xFFFFFF40] =	vst v4;
	v3 =	vmul.f32 v3, v5  }
0xb0: {  	[tilespmem:s7+$0xFFFFFF50] =	vst v6;
	v6 =	vld [tilespmem:s7+$0xFFFFFFE0];
	v4 =	vmul.f32 v13, v12  }
0xb1: {  	v12 =	vld [tilespmem:s7+$0xFFFFFFD0];
	[tilespmem:s7+$0xFFFFFF70] =	vst v3  }
0xb2: {  	v3 =	vmul.f32 v13, v8;
	[tilespmem:s7+$0xFFFFFF80] =	vst v4;
	v4 =	vmul.f32 v13, v7;
	v7 =	vld [tilespmem:s7+$0x0]  }
0xb3: {  	[tilespmem:s7+$0xFFFFFF60] =	vst v11;
	v2 =	vld.idx.msk [tilespmem:v2+s4+$0x0], $0xffff  }
0xb4: {  	v5 =	vld [tilespmem:s7+$0xFFFFFFF0];
	[tilespmem:s7+$0xFFFFFFA0] =	vst v3;
	v3 =	vmul.f32 v13, v10  }
0xb5: {  	v8 =	vld [tilespmem:s7+$0x10];
	[tilespmem:s7+$0xFFFFFF90] =	vst v4;
	v4 =	vmul.f32 v13, v9  }
0xb6: {  	s13 =	simm.s32 $0x4;
	v6 =	vmul.f32 v13, v6;
	v9 =	vld [tilespmem:s7+$0x20];
	[tilespmem:s7+$0xFFFFFFC0] =	vst v3  }
0xb7: {  	v11 =	vmov s13;
	v10 =	vld [tilespmem:s7+$0x30];
	[tilespmem:s7+$0xFFFFFFB0] =	vst v4;
	v4 =	vmul.f32 v13, v12  }
0xb8: {  	v11 =	vand.u32 $0x7C, v11;
	v3 =	vld [tilespmem:s7+$0x40];
	[tilespmem:s7+$0xFFFFFFE0] =	vst v6;
	v7 =	vmul.f32 v2, v7  }
0xb9: {  	s18 =	simm.s32 $0x5;
	s29 =	simm.s32 $0x6;
	v6 =	vor.u32 $0x100, v11;
	v12 =	vmul.f32 v13, v5;
	[tilespmem:s7+$0xFFFFFFD0] =	vst v4;
	v4 =	vld [tilespmem:s7+$0x50]  }
0xba: {  	v13 =	vmov s18;
	v5 =	vld [tilespmem:s7+$0x60];
	v8 =	vmul.f32 v2, v8;
	[tilespmem:s7+$0x0] =	vst v7;
	v7 =	vmov s29  }
0xbb: {  	[tilespmem:s7+$0xFFFFFFF0] =	vst v12;
	v12 =	vand.u32 $0x7D, v13;
	v9 =	vmul.f32 v2, v9;
	v11 =	vand.u32 $0x7E, v7;
	v7 =	vld [tilespmem:s7+$0x70]  }
0xbc: {  	s8 =	simm.s32 $0x700;
	s13 =	simm.s32 $0x8;
	v6 =	vbroadcast v6, $0x0;
	s18 =	simm.s32 $0x7;
	v10 =	vmul.f32 v2, v10;
	v12 =	vor.u32 $0x100, v12;
	[tilespmem:s7+$0x10] =	vst v8;
	v8 =	vld [tilespmem:s7+$0x80]  }
.LBB2_5:
0xbd: {  	p1 =	slt.u32 s13, $0x6C;
	v11 =	vor.u32 $0x100, v11;
	v13 =	vmov s18;
	[tilespmem:s7+$0x20] =	vst v9;
	v3 =	vmul.f32 v2, v3;
	v9 =	vld [tilespmem:s7+$0x90]  }
0xbe: {  	v12 =	vbroadcast v12, $0x0;
	v13 =	vand.u32 $0x7F, v13;
	[tilespmem:s7+$0x30] =	vst v10;
	v4 =	vmul.f32 v2, v4;
	v10 =	vld [tilespmem:s7+$0xA0]  }
0xbf: {  	v11 =	vbroadcast v11, $0x0;
	v13 =	vor.u32 $0x100, v13;
	[tilespmem:s7+$0x40] =	vst v3;
	v3 =	vmul.f32 v2, v5;
	v5 =	vld [tilespmem:s7+$0xB0]  }
0xc0: {  	v13 =	vbroadcast v13, $0x0;
	[tilespmem:s7+$0x50] =	vst v4;
	v2 =	vmul.f32 v2, v7;
	v4 =	vld [tilespmem:s7+$0xC0]  }
0xc1: {  	[tilespmem:s7+$0x60] =	vst v3;
	v3 =	vmul.f32 v1, v8;
	v7 =	vld [tilespmem:s7+$0xD0]  }
0xc2: {  	[tilespmem:s7+$0x70] =	vst v2;
	v2 =	vmul.f32 v1, v9;
	v8 =	vld [tilespmem:s7+$0xE0]  }
0xc3: {  	v6 =	vld.idx.msk [tilespmem:v6+s4+$0x0], $0xffff;
	[tilespmem:s7+$0x80] =	vst v3;
	v3 =	vmul.f32 v1, v10  }
0xc4: {  	v9 =	vld.idx.msk [tilespmem:v12+s4+$0x0], $0xffff;
	[tilespmem:s7+$0x90] =	vst v2;
	v5 =	vmul.f32 v1, v5  }
0xc5: {  	v2 =	vld.idx.msk [tilespmem:v11+s4+$0x0], $0xffff;
	[tilespmem:s7+$0xA0] =	vst v3;
	v3 =	vmul.f32 v1, v4  }
0xc6: {  	s7 =	sadd.s32 $0x200, s7;
	v4 =	vld.idx.msk [tilespmem:v13+s4+$0x0], $0xffff;
	[tilespmem:s8+$0xB0] =	vst v5;
	v5 =	vmul.f32 v1, v7  }
0xc7: {  	v7 =	vld [tilespmem:s7+$0xF0];
	[tilespmem:s8+$0xC0] =	vst v3;
	v1 =	vmul.f32 v1, v8  }
0xc8: {  	v3 =	vld [tilespmem:s7+$0xFFFFFF00];
	[tilespmem:s8+$0xD0] =	vst v5  }
0xc9: {  	v5 =	vld [tilespmem:s7+$0xFFFFFF10];
	[tilespmem:s8+$0xE0] =	vst v1;
	s8 =	smov.u32 s7  }
0xca: {  	v8 =	vld [tilespmem:s7+$0xFFFFFF20]  }
0xcb: {  	v10 =	vld [tilespmem:s7+$0xFFFFFF30]  }
0xcc: {  	v1 =	vmov v4;
	v11 =	vld [tilespmem:s7+$0xFFFFFF40];
	v7 =	vmul.f32 v4, v7  }
0xcd: {  	v3 =	vmul.f32 v6, v3;
	v4 =	vld [tilespmem:s7+$0xFFFFFF50]  }
0xce: {  	v5 =	vmul.f32 v6, v5;
	v12 =	vld [tilespmem:s7+$0xFFFFFF60];
	[tilespmem:s7+$0xF0] =	vst v7  }
0xcf: {  	[tilespmem:s7+$0xFFFFFF00] =	vst v3;
	v3 =	vmul.f32 v6, v8;
	v7 =	vld [tilespmem:s7+$0xFFFFFF70]  }
0xd0: {  	[tilespmem:s7+$0xFFFFFF10] =	vst v5;
	v5 =	vmul.f32 v6, v10;
	v8 =	vld [tilespmem:s7+$0xFFFFFF80]  }
0xd1: {  	[tilespmem:s7+$0xFFFFFF20] =	vst v3;
	v3 =	vmul.f32 v6, v11;
	v10 =	vld [tilespmem:s7+$0xFFFFFF90]  }
0xd2: {  	[tilespmem:s7+$0xFFFFFF30] =	vst v5;
	v4 =	vmul.f32 v6, v4;
	v5 =	vld [tilespmem:s7+$0xFFFFFFA0]  }
0xd3: {  	[tilespmem:s7+$0xFFFFFF40] =	vst v3;
	v3 =	vmul.f32 v6, v12;
	v11 =	vld [tilespmem:s7+$0xFFFFFFB0]  }
0xd4: {  	[tilespmem:s7+$0xFFFFFF50] =	vst v4;
	v4 =	vmul.f32 v6, v7;
	v6 =	vld [tilespmem:s7+$0xFFFFFFC0]  }
0xd5: {  	[tilespmem:s7+$0xFFFFFF60] =	vst v3;
	v3 =	vmul.f32 v9, v8;
	v7 =	vld [tilespmem:s7+$0xFFFFFFD0]  }
0xd6: {  	[tilespmem:s7+$0xFFFFFF70] =	vst v4;
	v4 =	vmul.f32 v9, v10;
	v8 =	vld [tilespmem:s7+$0xFFFFFFE0]  }
0xd7: {  	[tilespmem:s7+$0xFFFFFF80] =	vst v3;
	v3 =	vmul.f32 v9, v5;
	v5 =	vld [tilespmem:s7+$0xFFFFFFF0]  }
0xd8: {  	[tilespmem:s7+$0xFFFFFF90] =	vst v4;
	v4 =	vmul.f32 v9, v11;
	v10 =	vld [tilespmem:s7+$0x0]  }
0xd9: {  	[tilespmem:s7+$0xFFFFFFA0] =	vst v3;
	v3 =	vmul.f32 v9, v6;
	v6 =	vld [tilespmem:s7+$0x10]  }
0xda: {  	[tilespmem:s7+$0xFFFFFFB0] =	vst v4;
	v4 =	vmul.f32 v9, v7;
	v7 =	vld [tilespmem:s7+$0x20]  }
0xdb: {  	[tilespmem:s7+$0xFFFFFFC0] =	vst v3;
	v8 =	vmul.f32 v9, v8;
	v13 =	vld [tilespmem:s7+$0x30]  }
.Ltmp3:
0xdc: {  	s18 =	sadd.s32 $0x1, s13;
	v11 =	vmov s13;
	[tilespmem:s7+$0xFFFFFFD0] =	vst v4;
	v5 =	vmul.f32 v9, v5;
	v3 =	vld [tilespmem:s7+$0x40];
	(pc) =	sbr.rel @p1 .LBB2_5-.Ltmp3, $4  }
0xdd: {  	v9 =	vand.u32 $0x7C, v11;
	v11 =	vmov s18;
	s18 =	sadd.s32 $0x2, s13;
	[tilespmem:s7+$0xFFFFFFE0] =	vst v8;
	v8 =	vmul.f32 v2, v10;
	v4 =	vld [tilespmem:s7+$0x50]  }
0xde: {  	v10 =	vor.u32 $0x100, v9;
	v9 =	vmov s18;
	[tilespmem:s7+$0xFFFFFFF0] =	vst v5;
	v14 =	vmul.f32 v2, v6;
	v5 =	vld [tilespmem:s7+$0x60]  }
0xdf: {  	v12 =	vand.u32 $0x7D, v11;
	v11 =	vand.u32 $0x7E, v9;
	[tilespmem:s7+$0x0] =	vst v8;
	v9 =	vmul.f32 v2, v7;
	v7 =	vld [tilespmem:s7+$0x70]  }
0xe0: {  	s18 =	sadd.s32 $0x3, s13;
	s13 =	sadd.s32 $0x4, s13;
	v6 =	vbroadcast v10, $0x0;
	v12 =	vor.u32 $0x100, v12;
	[tilespmem:s7+$0x10] =	vst v14;
	v10 =	vmul.f32 v2, v13;
	v8 =	vld [tilespmem:s7+$0x80]  }
0xe1: {  	v14 =	vld [tilespmem:s7+$0x90]  }
0xe2: {  	v15 =	vld [tilespmem:s7+$0xA0]  }
0xe3: {  	v13 =	vmov s18;
	v11 =	vor.u32 $0x100, v11;
	v12 =	vbroadcast v12, $0x0;
	v16 =	vld [tilespmem:s7+$0xB0]  }
0xe4: {  	v17 =	vld [tilespmem:s7+$0xC0];
	[tilespmem:s7+$0x20] =	vst v9;
	v3 =	vmul.f32 v2, v3;
	v13 =	vand.u32 $0x7F, v13;
	v11 =	vbroadcast v11, $0x0  }
0xe5: {  	v9 =	vld [tilespmem:s7+$0xD0];
	[tilespmem:s7+$0x30] =	vst v10;
	v4 =	vmul.f32 v2, v4;
	v13 =	vor.u32 $0x100, v13  }
0xe6: {  	v10 =	vld [tilespmem:s7+$0xE0];
	[tilespmem:s7+$0x40] =	vst v3;
	v3 =	vmul.f32 v2, v5;
	v13 =	vbroadcast v13, $0x0  }
0xe7: {  	s13 =	sadd.s32 $0x200, s7;
	v5 =	vld.idx.msk [tilespmem:v6+s4+$0x0], $0xffff;
	[tilespmem:s7+$0x50] =	vst v4;
	v2 =	vmul.f32 v2, v7  }
0xe8: {  	[tilespmem:s7+$0x60] =	vst v3;
	v3 =	vmul.f32 v1, v8;
	v8 =	vld [tilespmem:s13+$0xF0]  }
0xe9: {  	[tilespmem:s7+$0x70] =	vst v2;
	v2 =	vmul.f32 v1, v14;
	v4 =	vld.idx.msk [tilespmem:v12+s4+$0x0], $0xffff  }
0xea: {  	[tilespmem:s7+$0x80] =	vst v3;
	v3 =	vmul.f32 v1, v15;
	v6 =	vld.idx.msk [tilespmem:v11+s4+$0x0], $0xffff  }
0xeb: {  	[tilespmem:s7+$0x90] =	vst v2;
	v2 =	vmul.f32 v1, v16;
	v11 =	vld [tilespmem:s13+$0xFFFFFF00]  }
0xec: {  	[tilespmem:s7+$0xA0] =	vst v3;
	v3 =	vmul.f32 v1, v17;
	v7 =	vld.idx.msk [tilespmem:v13+s4+$0x0], $0xffff  }
0xed: {  	v12 =	vld [tilespmem:s13+$0xFFFFFF10];
	[tilespmem:s8+$0xB0] =	vst v2;
	v2 =	vmul.f32 v1, v9  }
0xee: {  	v9 =	vld [tilespmem:s13+$0xFFFFFF20];
	v1 =	vmul.f32 v1, v10;
	[tilespmem:s8+$0xC0] =	vst v3  }
0xef: {  	v3 =	vld [tilespmem:s13+$0xFFFFFF30];
	[tilespmem:s8+$0xD0] =	vst v2  }
0xf0: {  	v2 =	vld [tilespmem:s13+$0xFFFFFF40];
	[tilespmem:s8+$0xE0] =	vst v1;
	v1 =	vmul.f32 v5, v11  }
0xf1: {  	v10 =	vld [tilespmem:s13+$0xFFFFFF50];
	v8 =	vmul.f32 v7, v8  }
0xf2: {  	v11 =	vmul.f32 v5, v12;
	v12 =	vld [tilespmem:s13+$0xFFFFFF60];
	[tilespmem:s13+$0xFFFFFF00] =	vst v1  }
0xf3: {  	v1 =	vmul.f32 v5, v9;
	[tilespmem:s13+$0xF0] =	vst v8;
	v8 =	vld [tilespmem:s13+$0xFFFFFF70]  }
0xf4: {  	[tilespmem:s13+$0xFFFFFF10] =	vst v11;
	v9 =	vld [tilespmem:s13+$0xFFFFFF80];
	v3 =	vmul.f32 v5, v3  }
0xf5: {  	[tilespmem:s13+$0xFFFFFF20] =	vst v1;
	v1 =	vmul.f32 v5, v2;
	v2 =	vld [tilespmem:s13+$0xFFFFFF90]  }
0xf6: {  	[tilespmem:s13+$0xFFFFFF30] =	vst v3;
	v3 =	vmul.f32 v5, v10;
	v10 =	vld [tilespmem:s13+$0xFFFFFFA0]  }
0xf7: {  	v11 =	vld [tilespmem:s13+$0xFFFFFFB0];
	[tilespmem:s13+$0xFFFFFF40] =	vst v1;
	v1 =	vmul.f32 v5, v12  }
0xf8: {  	[tilespmem:s13+$0xFFFFFF50] =	vst v3;
	v3 =	vmul.f32 v5, v8;
	v5 =	vld [tilespmem:s13+$0xFFFFFFC0]  }
0xf9: {  	[tilespmem:s13+$0xFFFFFF60] =	vst v1;
	v1 =	vmul.f32 v4, v9;
	v8 =	vld [tilespmem:s13+$0xFFFFFFD0]  }
0xfa: {  	v2 =	vmul.f32 v4, v2;
	[tilespmem:s13+$0xFFFFFF70] =	vst v3;
	v3 =	vld [tilespmem:s13+$0xFFFFFFE0]  }
0xfb: {  	v9 =	vld [tilespmem:s13+$0xFFFFFFF0];
	[tilespmem:s13+$0xFFFFFF80] =	vst v1;
	v1 =	vmul.f32 v4, v10  }
0xfc: {  	v10 =	vld [tilespmem:s13+$0x0];
	[tilespmem:s13+$0xFFFFFF90] =	vst v2;
	v2 =	vmul.f32 v4, v11  }
0xfd: {  	[tilespmem:s13+$0xFFFFFFA0] =	vst v1;
	v1 =	vmul.f32 v4, v5;
	v5 =	vld [tilespmem:s13+$0x10]  }
0xfe: {  	[tilespmem:s13+$0xFFFFFFB0] =	vst v2;
	v2 =	vmul.f32 v4, v8;
	v8 =	vld [tilespmem:s13+$0x20]  }
0xff: {  	[tilespmem:s13+$0xFFFFFFC0] =	vst v1;
	v1 =	vmul.f32 v4, v3;
	v3 =	vld [tilespmem:s13+$0x30]  }
0x100: {  	[tilespmem:s13+$0xFFFFFFD0] =	vst v2;
	v2 =	vmul.f32 v4, v9;
	v4 =	vld [tilespmem:s13+$0x40]  }
0x101: {  	v9 =	vld [tilespmem:s13+$0x50];
	[tilespmem:s13+$0xFFFFFFE0] =	vst v1;
	v1 =	vmul.f32 v6, v10  }
0x102: {  	[tilespmem:s13+$0xFFFFFFF0] =	vst v2;
	v2 =	vmul.f32 v6, v5;
	v5 =	vld [tilespmem:s13+$0x60]  }
0x103: {  	[tilespmem:s13+$0x0] =	vst v1;
	v1 =	vmul.f32 v6, v8;
	v8 =	vld [tilespmem:s13+$0x70]  }
0x104: {  	[tilespmem:s13+$0x10] =	vst v2;
	v2 =	vmul.f32 v6, v3;
	v3 =	vld [tilespmem:s13+$0x80]  }
0x105: {  	[tilespmem:s13+$0x20] =	vst v1;
	v1 =	vmul.f32 v6, v4;
	v4 =	vld [tilespmem:s13+$0x90]  }
0x106: {  	[tilespmem:s13+$0x30] =	vst v2;
	v2 =	vmul.f32 v6, v9;
	v9 =	vld [tilespmem:s13+$0xA0]  }
0x107: {  	[tilespmem:s13+$0x40] =	vst v1;
	v1 =	vmul.f32 v6, v5;
	v5 =	vld [tilespmem:s13+$0xB0]  }
0x108: {  	[tilespmem:s13+$0x50] =	vst v2;
	v2 =	vmul.f32 v6, v8;
	v6 =	vld [tilespmem:s13+$0xC0]  }
0x109: {  	[tilespmem:s13+$0x60] =	vst v1;
	v1 =	vmul.f32 v7, v3;
	v3 =	vld [tilespmem:s13+$0xD0]  }
0x10a: {  	[tilespmem:s13+$0x70] =	vst v2;
	v2 =	vmul.f32 v7, v4;
	v4 =	vld [tilespmem:s13+$0xE0]  }
0x10b: {  	[tilespmem:s13+$0x80] =	vst v1;
	v1 =	vmul.f32 v7, v9  }
0x10c: {  	[tilespmem:s13+$0x90] =	vst v2;
	v2 =	vmul.f32 v7, v5  }
0x10d: {  	[tilespmem:s13+$0xA0] =	vst v1;
	v1 =	vmul.f32 v7, v6  }
0x10e: {  	[tilespmem:s13+$0xB0] =	vst v2;
	v2 =	vmul.f32 v7, v3  }
0x10f: {  	[tilespmem:s13+$0xC0] =	vst v1;
	v1 =	vmul.f32 v7, v4  }
0x110: {  	p1 =	seq.s32 s6, $0x0;
	[tilespmem:s13+$0xD0] =	vst v2  }
0x111: {  	s8 =	simm.s32 @!p1 $0xC;
	[tilespmem:s13+$0xE0] =	vst v1  }
0x112: {  	s7 =	smul.u32 $0xC0, s6;
	_ =	swait.ge @!p1 [sflag:s8], $0x3800  }
0x113: {  	[sflag:s8] =	ssyncset.done @!p1 $0x0  }
0x114: {  	s18 =	sadd.s32 s7, s15;
	s13 =	simm.s32 $0x0;
	[sflag:s8] =	ssyncadd.s32 @!p1 $0xFFFFC800  }
0x115: {  	[tilespmem:s11], [sflag:$0x3] =	stream.linear.gather [hbm4b:s18+s13], $0x180, $0x38;
	[tilespmem:$0x1E680] =	vst v63  }
0x116: {  	s18 =	simm.s32 $0x80  }
0x117: {  	[spmem:s3] =	stream.indirect.scatter.add.f32 [tilespmem:s31], [sflag:$0xA], $0x80, s18, s12, $0xb8;
	[tilespmem:$0x1E680] =	vst v63  }
0x118: {  	_ =	swait.ge [sflag:s14], $0x180  }
0x119: {  	[sflag:s14] =	ssyncset.done $0x0  }
0x11a: {  	s18 =	simm.s32 $0x3;
	[sflag:s14] =	ssyncadd.s32 $0xFFFFFE80  }
0x11b: {  	v1 =	vmov s13;
	[tilespmem:s1], [sflag:$0x6] =	stream.indirect.gather [hbm4b:s0+s30], $0x80, s11, s30, $0xb8;
	[tilespmem:$0x1E680] =	vst v63  }
0x11c: {  	v1 =	vand.u32 $0x7C, v1;
	s13 =	simm.s32 $0x438;
	v2 =	vmov s18;
	s18 =	simm.s32 $0x9200  }
0x11d: {  	v1 =	vor.u32 $0x100, v1;
	v2 =	vand.u32 $0x7F, v2;
	[tilespmem:s18], [sflag:$0x9] =	stream.indirect.gather [hbm4b:s0+s30], $0x80, s13, s30, $0xb8;
	[tilespmem:$0x1E680] =	vst v63  }
0x11e: {  	v1 =	vbroadcast v1, $0x0;
	v2 =	vor.u32 $0x100, v2;
	_ =	swait.ge [sflag:s19], $0x1C00  }
0x11f: {  	v2 =	vbroadcast v2, $0x0;
	[sflag:s19] =	ssyncset.done $0x0  }
0x120: {  	[sflag:s19] =	ssyncadd.s32 $0xFFFFE400  }
0x121: {  	_ =	swait.ge [sflag:s20], $0x1C00  }
0x122: {  	[sflag:s20] =	ssyncset.done $0x0  }
0x123: {  	[sflag:s20] =	ssyncadd.s32 $0xFFFFE400  }
0x124: {  	s18 =	simm.s32 $0x1;
	v3 =	vld.idx.msk [tilespmem:v1+s28+$0x0], $0xffff  }
0x125: {  	s8 =	simm.s32 $0x3F00;
	v4 =	vmov s18;
	v1 =	vld.idx.msk [tilespmem:v2+s28+$0x0], $0xffff  }
0x126: {  	v2 =	vand.u32 $0x7D, v4;
	v4 =	vld [tilespmem:s8+$0xF0]  }
0x127: {  	v5 =	vld [tilespmem:s8+$0xFFFFFF00]  }
0x128: {  	v6 =	vld [tilespmem:s8+$0xFFFFFF10]  }
0x129: {  	v7 =	vld [tilespmem:s8+$0xFFFFFF20];
	v2 =	vor.u32 $0x100, v2  }
0x12a: {  	v8 =	vld [tilespmem:s8+$0xFFFFFF30];
	v2 =	vbroadcast v2, $0x0  }
0x12b: {  	v9 =	vld [tilespmem:s8+$0xFFFFFF40]  }
0x12c: {  	v10 =	vld [tilespmem:s8+$0xFFFFFF50];
	v5 =	vmul.f32 v3, v5  }
0x12d: {  	v11 =	vld [tilespmem:s8+$0xFFFFFF60];
	v4 =	vmul.f32 v1, v4  }
0x12e: {  	[tilespmem:s8+$0xFFFFFF00] =	vst v5;
	v5 =	vld [tilespmem:s8+$0xFFFFFF70]  }
0x12f: {  	s18 =	simm.s32 $0x2;
	v6 =	vmul.f32 v3, v6;
	[tilespmem:s8+$0xF0] =	vst v4;
	v4 =	vmul.f32 v3, v7;
	v7 =	vld [tilespmem:s8+$0xFFFFFF90]  }
0x130: {  	v12 =	vmov s18;
	v13 =	vld.idx.msk [tilespmem:v2+s28+$0x0], $0xffff  }
0x131: {  	[tilespmem:s8+$0xFFFFFF10] =	vst v6;
	v6 =	vmul.f32 v3, v8;
	v2 =	vand.u32 $0x7E, v12;
	v12 =	vld [tilespmem:s8+$0xFFFFFF80]  }
0x132: {  	v11 =	vmul.f32 v3, v11;
	v8 =	vld [tilespmem:s8+$0xFFFFFFA0];
	v2 =	vor.u32 $0x100, v2;
	[tilespmem:s8+$0xFFFFFF20] =	vst v4;
	v4 =	vmul.f32 v3, v9  }
0x133: {  	v9 =	vld [tilespmem:s8+$0xFFFFFFB0];
	[tilespmem:s8+$0xFFFFFF30] =	vst v6;
	v6 =	vmul.f32 v3, v10;
	v2 =	vbroadcast v2, $0x0  }
0x134: {  	[tilespmem:s8+$0xFFFFFF60] =	vst v11;
	v10 =	vld [tilespmem:s8+$0xFFFFFFC0]  }
0x135: {  	[tilespmem:s8+$0xFFFFFF50] =	vst v6;
	v6 =	vld [tilespmem:s8+$0xFFFFFFE0];
	v3 =	vmul.f32 v3, v5  }
0x136: {  	[tilespmem:s8+$0xFFFFFF40] =	vst v4;
	v5 =	vld [tilespmem:s8+$0xFFFFFFF0];
	v4 =	vmul.f32 v13, v12  }
0x137: {  	v12 =	vld [tilespmem:s8+$0xFFFFFFD0];
	[tilespmem:s8+$0xFFFFFF70] =	vst v3;
	v3 =	vmul.f32 v13, v8  }
0x138: {  	[tilespmem:s8+$0xFFFFFF80] =	vst v4;
	v4 =	vmul.f32 v13, v7;
	v7 =	vld [tilespmem:s8+$0x0]  }
0x139: {  	v2 =	vld.idx.msk [tilespmem:v2+s28+$0x0], $0xffff;
	[tilespmem:s8+$0xFFFFFFA0] =	vst v3;
	v3 =	vmul.f32 v13, v10  }
0x13a: {  	v8 =	vld [tilespmem:s8+$0x10];
	[tilespmem:s8+$0xFFFFFF90] =	vst v4;
	v4 =	vmul.f32 v13, v9  }
0x13b: {  	s18 =	simm.s32 $0x4;
	v6 =	vmul.f32 v13, v6;
	v9 =	vld [tilespmem:s8+$0x20];
	[tilespmem:s8+$0xFFFFFFC0] =	vst v3  }
0x13c: {  	v11 =	vmov s18;
	v10 =	vld [tilespmem:s8+$0x30];
	[tilespmem:s8+$0xFFFFFFB0] =	vst v4;
	v4 =	vmul.f32 v13, v12  }
0x13d: {  	v11 =	vand.u32 $0x7C, v11;
	v3 =	vld [tilespmem:s8+$0x40];
	[tilespmem:s8+$0xFFFFFFE0] =	vst v6;
	v12 =	vmul.f32 v13, v5  }
0x13e: {  	s18 =	simm.s32 $0x5;
	v6 =	vor.u32 $0x100, v11;
	[tilespmem:s8+$0xFFFFFFD0] =	vst v4;
	v7 =	vmul.f32 v2, v7;
	v4 =	vld [tilespmem:s8+$0x50]  }
0x13f: {  	v13 =	vmov s18;
	s18 =	simm.s32 $0x6;
	v5 =	vld [tilespmem:s8+$0x60];
	v6 =	vbroadcast v6, $0x0;
	v8 =	vmul.f32 v2, v8;
	[tilespmem:s8+$0xFFFFFFF0] =	vst v12  }
0x140: {  	v11 =	vmov s18;
	v12 =	vand.u32 $0x7D, v13;
	v9 =	vmul.f32 v2, v9;
	[tilespmem:s8+$0x0] =	vst v7;
	v7 =	vld [tilespmem:s8+$0x70]  }
0x141: {  	s29 =	simm.s32 $0x7;
	s13 =	simm.s32 $0x3F00;
	s18 =	simm.s32 $0x8;
	v11 =	vand.u32 $0x7E, v11;
	v10 =	vmul.f32 v2, v10;
	v12 =	vor.u32 $0x100, v12;
	[tilespmem:s8+$0x10] =	vst v8;
	v8 =	vld [tilespmem:s8+$0x80]  }
.LBB2_7:
0x142: {  	p1 =	slt.u32 s18, $0x6C;
	v11 =	vor.u32 $0x100, v11;
	v13 =	vmov s29;
	[tilespmem:s8+$0x20] =	vst v9;
	v3 =	vmul.f32 v2, v3;
	v9 =	vld [tilespmem:s8+$0x90]  }
0x143: {  	v12 =	vbroadcast v12, $0x0;
	v13 =	vand.u32 $0x7F, v13;
	[tilespmem:s8+$0x30] =	vst v10;
	v4 =	vmul.f32 v2, v4;
	v10 =	vld [tilespmem:s8+$0xA0]  }
0x144: {  	v11 =	vbroadcast v11, $0x0;
	v13 =	vor.u32 $0x100, v13;
	[tilespmem:s8+$0x40] =	vst v3;
	v3 =	vmul.f32 v2, v5;
	v5 =	vld [tilespmem:s8+$0xB0]  }
0x145: {  	v13 =	vbroadcast v13, $0x0;
	[tilespmem:s8+$0x50] =	vst v4;
	v2 =	vmul.f32 v2, v7;
	v4 =	vld [tilespmem:s8+$0xC0]  }
0x146: {  	[tilespmem:s8+$0x60] =	vst v3;
	v3 =	vmul.f32 v1, v8;
	v7 =	vld [tilespmem:s8+$0xD0]  }
0x147: {  	[tilespmem:s8+$0x70] =	vst v2;
	v2 =	vmul.f32 v1, v9;
	v8 =	vld [tilespmem:s8+$0xE0]  }
0x148: {  	v6 =	vld.idx.msk [tilespmem:v6+s28+$0x0], $0xffff;
	[tilespmem:s8+$0x80] =	vst v3;
	v3 =	vmul.f32 v1, v10  }
0x149: {  	v9 =	vld.idx.msk [tilespmem:v12+s28+$0x0], $0xffff;
	[tilespmem:s8+$0x90] =	vst v2;
	v5 =	vmul.f32 v1, v5  }
0x14a: {  	v2 =	vld.idx.msk [tilespmem:v11+s28+$0x0], $0xffff;
	[tilespmem:s8+$0xA0] =	vst v3;
	v3 =	vmul.f32 v1, v4  }
0x14b: {  	s8 =	sadd.s32 $0x200, s8;
	v4 =	vld.idx.msk [tilespmem:v13+s28+$0x0], $0xffff;
	[tilespmem:s13+$0xB0] =	vst v5;
	v5 =	vmul.f32 v1, v7  }
0x14c: {  	v7 =	vld [tilespmem:s8+$0xF0];
	[tilespmem:s13+$0xC0] =	vst v3;
	v1 =	vmul.f32 v1, v8  }
0x14d: {  	v3 =	vld [tilespmem:s8+$0xFFFFFF00];
	[tilespmem:s13+$0xD0] =	vst v5  }
0x14e: {  	v5 =	vld [tilespmem:s8+$0xFFFFFF10];
	[tilespmem:s13+$0xE0] =	vst v1;
	s13 =	smov.u32 s8  }
0x14f: {  	v8 =	vld [tilespmem:s8+$0xFFFFFF20]  }
0x150: {  	v10 =	vld [tilespmem:s8+$0xFFFFFF30]  }
0x151: {  	v1 =	vmov v4;
	v11 =	vld [tilespmem:s8+$0xFFFFFF40];
	v7 =	vmul.f32 v4, v7  }
0x152: {  	v3 =	vmul.f32 v6, v3;
	v4 =	vld [tilespmem:s8+$0xFFFFFF50]  }
0x153: {  	v5 =	vmul.f32 v6, v5;
	v12 =	vld [tilespmem:s8+$0xFFFFFF60];
	[tilespmem:s8+$0xF0] =	vst v7  }
0x154: {  	[tilespmem:s8+$0xFFFFFF00] =	vst v3;
	v3 =	vmul.f32 v6, v8;
	v7 =	vld [tilespmem:s8+$0xFFFFFF70]  }
0x155: {  	[tilespmem:s8+$0xFFFFFF10] =	vst v5;
	v5 =	vmul.f32 v6, v10;
	v8 =	vld [tilespmem:s8+$0xFFFFFF80]  }
0x156: {  	[tilespmem:s8+$0xFFFFFF20] =	vst v3;
	v3 =	vmul.f32 v6, v11;
	v10 =	vld [tilespmem:s8+$0xFFFFFF90]  }
0x157: {  	[tilespmem:s8+$0xFFFFFF30] =	vst v5;
	v4 =	vmul.f32 v6, v4;
	v5 =	vld [tilespmem:s8+$0xFFFFFFA0]  }
0x158: {  	[tilespmem:s8+$0xFFFFFF40] =	vst v3;
	v3 =	vmul.f32 v6, v12;
	v11 =	vld [tilespmem:s8+$0xFFFFFFB0]  }
0x159: {  	[tilespmem:s8+$0xFFFFFF50] =	vst v4;
	v4 =	vmul.f32 v6, v7;
	v6 =	vld [tilespmem:s8+$0xFFFFFFC0]  }
0x15a: {  	[tilespmem:s8+$0xFFFFFF60] =	vst v3;
	v3 =	vmul.f32 v9, v8;
	v7 =	vld [tilespmem:s8+$0xFFFFFFD0]  }
0x15b: {  	[tilespmem:s8+$0xFFFFFF70] =	vst v4;
	v4 =	vmul.f32 v9, v10;
	v8 =	vld [tilespmem:s8+$0xFFFFFFE0]  }
0x15c: {  	[tilespmem:s8+$0xFFFFFF80] =	vst v3;
	v3 =	vmul.f32 v9, v5;
	v5 =	vld [tilespmem:s8+$0xFFFFFFF0]  }
0x15d: {  	[tilespmem:s8+$0xFFFFFF90] =	vst v4;
	v4 =	vmul.f32 v9, v11;
	v10 =	vld [tilespmem:s8+$0x0]  }
0x15e: {  	[tilespmem:s8+$0xFFFFFFA0] =	vst v3;
	v3 =	vmul.f32 v9, v6;
	v6 =	vld [tilespmem:s8+$0x10]  }
0x15f: {  	[tilespmem:s8+$0xFFFFFFB0] =	vst v4;
	v4 =	vmul.f32 v9, v7;
	v7 =	vld [tilespmem:s8+$0x20]  }
0x160: {  	[tilespmem:s8+$0xFFFFFFC0] =	vst v3;
	v8 =	vmul.f32 v9, v8;
	v13 =	vld [tilespmem:s8+$0x30]  }
.Ltmp4:
0x161: {  	s29 =	sadd.s32 $0x1, s18;
	v11 =	vmov s18;
	[tilespmem:s8+$0xFFFFFFD0] =	vst v4;
	v5 =	vmul.f32 v9, v5;
	v3 =	vld [tilespmem:s8+$0x40];
	(pc) =	sbr.rel @p1 .LBB2_7-.Ltmp4, $4  }
0x162: {  	v9 =	vand.u32 $0x7C, v11;
	v11 =	vmov s29;
	s29 =	sadd.s32 $0x2, s18;
	[tilespmem:s8+$0xFFFFFFE0] =	vst v8;
	v8 =	vmul.f32 v2, v10;
	v4 =	vld [tilespmem:s8+$0x50]  }
0x163: {  	v10 =	vor.u32 $0x100, v9;
	v9 =	vmov s29;
	[tilespmem:s8+$0xFFFFFFF0] =	vst v5;
	v14 =	vmul.f32 v2, v6;
	v5 =	vld [tilespmem:s8+$0x60]  }
0x164: {  	v12 =	vand.u32 $0x7D, v11;
	v11 =	vand.u32 $0x7E, v9;
	[tilespmem:s8+$0x0] =	vst v8;
	v9 =	vmul.f32 v2, v7;
	v7 =	vld [tilespmem:s8+$0x70]  }
0x165: {  	s29 =	sadd.s32 $0x3, s18;
	s18 =	sadd.s32 $0x4, s18;
	v6 =	vbroadcast v10, $0x0;
	v12 =	vor.u32 $0x100, v12;
	[tilespmem:s8+$0x10] =	vst v14;
	v10 =	vmul.f32 v2, v13;
	v8 =	vld [tilespmem:s8+$0x80]  }
0x166: {  	v14 =	vld [tilespmem:s8+$0x90]  }
0x167: {  	v15 =	vld [tilespmem:s8+$0xA0]  }
0x168: {  	v13 =	vmov s29;
	v11 =	vor.u32 $0x100, v11;
	v12 =	vbroadcast v12, $0x0;
	v16 =	vld [tilespmem:s8+$0xB0]  }
0x169: {  	v17 =	vld [tilespmem:s8+$0xC0];
	[tilespmem:s8+$0x20] =	vst v9;
	v3 =	vmul.f32 v2, v3;
	v13 =	vand.u32 $0x7F, v13;
	v11 =	vbroadcast v11, $0x0  }
0x16a: {  	v9 =	vld [tilespmem:s8+$0xD0];
	[tilespmem:s8+$0x30] =	vst v10;
	v4 =	vmul.f32 v2, v4;
	v13 =	vor.u32 $0x100, v13  }
0x16b: {  	v10 =	vld [tilespmem:s8+$0xE0];
	[tilespmem:s8+$0x40] =	vst v3;
	v3 =	vmul.f32 v2, v5;
	v13 =	vbroadcast v13, $0x0  }
0x16c: {  	s18 =	sadd.s32 $0x200, s8;
	v5 =	vld.idx.msk [tilespmem:v6+s28+$0x0], $0xffff;
	[tilespmem:s8+$0x50] =	vst v4;
	v2 =	vmul.f32 v2, v7  }
0x16d: {  	[tilespmem:s8+$0x60] =	vst v3;
	v3 =	vmul.f32 v1, v8;
	v8 =	vld [tilespmem:s18+$0xF0]  }
0x16e: {  	[tilespmem:s8+$0x70] =	vst v2;
	v2 =	vmul.f32 v1, v14;
	v4 =	vld.idx.msk [tilespmem:v12+s28+$0x0], $0xffff  }
0x16f: {  	[tilespmem:s8+$0x80] =	vst v3;
	v3 =	vmul.f32 v1, v15;
	v6 =	vld.idx.msk [tilespmem:v11+s28+$0x0], $0xffff  }
0x170: {  	[tilespmem:s8+$0x90] =	vst v2;
	v2 =	vmul.f32 v1, v16;
	v11 =	vld [tilespmem:s18+$0xFFFFFF00]  }
0x171: {  	[tilespmem:s8+$0xA0] =	vst v3;
	v3 =	vmul.f32 v1, v17;
	v7 =	vld.idx.msk [tilespmem:v13+s28+$0x0], $0xffff  }
0x172: {  	v12 =	vld [tilespmem:s18+$0xFFFFFF10];
	[tilespmem:s13+$0xB0] =	vst v2;
	v2 =	vmul.f32 v1, v9  }
0x173: {  	v9 =	vld [tilespmem:s18+$0xFFFFFF20];
	v1 =	vmul.f32 v1, v10;
	[tilespmem:s13+$0xC0] =	vst v3  }
0x174: {  	v3 =	vld [tilespmem:s18+$0xFFFFFF30];
	[tilespmem:s13+$0xD0] =	vst v2  }
0x175: {  	v2 =	vld [tilespmem:s18+$0xFFFFFF40];
	[tilespmem:s13+$0xE0] =	vst v1;
	v1 =	vmul.f32 v5, v11  }
0x176: {  	v10 =	vld [tilespmem:s18+$0xFFFFFF50];
	v8 =	vmul.f32 v7, v8  }
0x177: {  	v11 =	vmul.f32 v5, v12;
	v12 =	vld [tilespmem:s18+$0xFFFFFF60];
	[tilespmem:s18+$0xFFFFFF00] =	vst v1  }
0x178: {  	v1 =	vmul.f32 v5, v9;
	[tilespmem:s18+$0xF0] =	vst v8;
	v8 =	vld [tilespmem:s18+$0xFFFFFF70]  }
0x179: {  	[tilespmem:s18+$0xFFFFFF10] =	vst v11;
	v9 =	vld [tilespmem:s18+$0xFFFFFF80];
	v3 =	vmul.f32 v5, v3  }
0x17a: {  	[tilespmem:s18+$0xFFFFFF20] =	vst v1;
	v1 =	vmul.f32 v5, v2;
	v2 =	vld [tilespmem:s18+$0xFFFFFF90]  }
0x17b: {  	[tilespmem:s18+$0xFFFFFF30] =	vst v3;
	v3 =	vmul.f32 v5, v10;
	v10 =	vld [tilespmem:s18+$0xFFFFFFA0]  }
0x17c: {  	v11 =	vld [tilespmem:s18+$0xFFFFFFB0];
	[tilespmem:s18+$0xFFFFFF40] =	vst v1;
	v1 =	vmul.f32 v5, v12  }
0x17d: {  	[tilespmem:s18+$0xFFFFFF50] =	vst v3;
	v3 =	vmul.f32 v5, v8;
	v5 =	vld [tilespmem:s18+$0xFFFFFFC0]  }
0x17e: {  	[tilespmem:s18+$0xFFFFFF60] =	vst v1;
	v1 =	vmul.f32 v4, v9;
	v8 =	vld [tilespmem:s18+$0xFFFFFFD0]  }
0x17f: {  	v2 =	vmul.f32 v4, v2;
	[tilespmem:s18+$0xFFFFFF70] =	vst v3;
	v3 =	vld [tilespmem:s18+$0xFFFFFFE0]  }
0x180: {  	v9 =	vld [tilespmem:s18+$0xFFFFFFF0];
	[tilespmem:s18+$0xFFFFFF80] =	vst v1;
	v1 =	vmul.f32 v4, v10  }
0x181: {  	v10 =	vld [tilespmem:s18+$0x0];
	[tilespmem:s18+$0xFFFFFF90] =	vst v2;
	v2 =	vmul.f32 v4, v11  }
0x182: {  	[tilespmem:s18+$0xFFFFFFA0] =	vst v1;
	v1 =	vmul.f32 v4, v5;
	v5 =	vld [tilespmem:s18+$0x10]  }
0x183: {  	[tilespmem:s18+$0xFFFFFFB0] =	vst v2;
	v2 =	vmul.f32 v4, v8;
	v8 =	vld [tilespmem:s18+$0x20]  }
0x184: {  	[tilespmem:s18+$0xFFFFFFC0] =	vst v1;
	v1 =	vmul.f32 v4, v3;
	v3 =	vld [tilespmem:s18+$0x30]  }
0x185: {  	[tilespmem:s18+$0xFFFFFFD0] =	vst v2;
	v2 =	vmul.f32 v4, v9;
	v4 =	vld [tilespmem:s18+$0x40]  }
0x186: {  	v9 =	vld [tilespmem:s18+$0x50];
	[tilespmem:s18+$0xFFFFFFE0] =	vst v1;
	v1 =	vmul.f32 v6, v10  }
0x187: {  	[tilespmem:s18+$0xFFFFFFF0] =	vst v2;
	v2 =	vmul.f32 v6, v5;
	v5 =	vld [tilespmem:s18+$0x60]  }
0x188: {  	[tilespmem:s18+$0x0] =	vst v1;
	v1 =	vmul.f32 v6, v8;
	v8 =	vld [tilespmem:s18+$0x70]  }
0x189: {  	[tilespmem:s18+$0x10] =	vst v2;
	v2 =	vmul.f32 v6, v3;
	v3 =	vld [tilespmem:s18+$0x80]  }
0x18a: {  	[tilespmem:s18+$0x20] =	vst v1;
	v1 =	vmul.f32 v6, v4;
	v4 =	vld [tilespmem:s18+$0x90]  }
0x18b: {  	[tilespmem:s18+$0x30] =	vst v2;
	v2 =	vmul.f32 v6, v9;
	v9 =	vld [tilespmem:s18+$0xA0]  }
0x18c: {  	[tilespmem:s18+$0x40] =	vst v1;
	v1 =	vmul.f32 v6, v5;
	v5 =	vld [tilespmem:s18+$0xB0]  }
0x18d: {  	[tilespmem:s18+$0x50] =	vst v2;
	v2 =	vmul.f32 v6, v8;
	v6 =	vld [tilespmem:s18+$0xC0]  }
0x18e: {  	[tilespmem:s18+$0x60] =	vst v1;
	v1 =	vmul.f32 v7, v3;
	v3 =	vld [tilespmem:s18+$0xD0]  }
0x18f: {  	[tilespmem:s18+$0x70] =	vst v2;
	v2 =	vmul.f32 v7, v4;
	v4 =	vld [tilespmem:s18+$0xE0]  }
0x190: {  	[tilespmem:s18+$0x80] =	vst v1;
	v1 =	vmul.f32 v7, v9  }
0x191: {  	[tilespmem:s18+$0x90] =	vst v2;
	v2 =	vmul.f32 v7, v5  }
0x192: {  	[tilespmem:s18+$0xA0] =	vst v1;
	v1 =	vmul.f32 v7, v6  }
0x193: {  	[tilespmem:s18+$0xB0] =	vst v2;
	v2 =	vmul.f32 v7, v3  }
0x194: {  	[tilespmem:s18+$0xC0] =	vst v1;
	v1 =	vmul.f32 v7, v4  }
0x195: {  	[tilespmem:s18+$0xD0] =	vst v2  }
0x196: {  	[tilespmem:s18+$0xE0] =	vst v1  }
0x197: {  	p1 =	seq.s32 s6, $0x3B;
	_ =	swait.ge [sflag:s21], $0x3800  }
0x198: {  	s8 =	simm.s32 @p1 $0x70;
	[sflag:s21] =	ssyncset.done $0x0  }
0x199: {  	s13 =	simm.s32 @p1 $0x280;
	s18 =	simm.s32 @p1 $0x3E00;
	[sflag:s21] =	ssyncadd.s32 $0xFFFFC800  }
0x19a: {  	[spmem:s3] =	stream.indirect.scatter.add.f32 @p1 [tilespmem:s18], [sflag:$0xB], $0x80, s13, s8, $0xb8;
	[tilespmem:$0x1E680] =	vst v63  }
0x19b: {  	s8 =	sadd.s32 @!p1 s7, s16;
	s13 =	simm.s32 @!p1 $0x0  }
0x19c: {  	[tilespmem:s13], [sflag:$0x1] =	stream.linear.gather @!p1 [hbm4b:s8+s13], $0x180, $0x38;
	[tilespmem:$0x1E680] =	vst v63  }
0x19d: {  	s29 =	simm.s32 @!p1 $0x3E00;
	s18 =	simm.s32 @!p1 $0x280;
	s8 =	simm.s32 @!p1 $0x70  }
0x19e: {  	[spmem:s3] =	stream.indirect.scatter.add.f32 @!p1 [tilespmem:s29], [sflag:$0xB], $0x80, s18, s8, $0xb8;
	[tilespmem:$0x1E680] =	vst v63  }
0x19f: {  	s8 =	simm.s32 @!p1 $0x1  }
0x1a0: {  	_ =	swait.ge @!p1 [sflag:s8], $0x180  }
0x1a1: {  	[sflag:s8] =	ssyncset.done @!p1 $0x0  }
0x1a2: {  	s18 =	simm.s32 @!p1 $0x600;
	[sflag:s8] =	ssyncadd.s32 @!p1 $0xFFFFFE80;
	s8 =	simm.s32 @!p1 $0x38  }
0x1a3: {  	[tilespmem:s18], [sflag:$0x4] =	stream.indirect.gather @!p1 [hbm4b:s0+s8], $0x80, s13, s8, $0xb8;
	[tilespmem:$0x1E680] =	vst v63  }
0x1a4: {  	s18 =	simm.s32 $0x0  }
0x1a5: {  	s13 =	simm.s32 $0x3;
	v1 =	vmov s18;
	s18 =	simm.s32 @!p1 $0x2200  }
0x1a6: {  	[tilespmem:s18], [sflag:$0x7] =	stream.indirect.gather @!p1 [hbm4b:s0+s8], $0x80, s8, s8, $0xb8;
	[tilespmem:$0x1E680] =	vst v63  }
0x1a7: {  	v2 =	vmov s13;
	v1 =	vand.u32 $0x7C, v1;
	_ =	swait.ge [sflag:s22], $0x1C00  }
0x1a8: {  	v2 =	vand.u32 $0x7F, v2;
	v1 =	vor.u32 $0x100, v1;
	[sflag:s22] =	ssyncset.done $0x0  }
0x1a9: {  	v2 =	vor.u32 $0x100, v2;
	v1 =	vbroadcast v1, $0x0;
	[sflag:s22] =	ssyncadd.s32 $0xFFFFE400  }
0x1aa: {  	v2 =	vbroadcast v2, $0x0;
	_ =	swait.ge [sflag:s23], $0x1C00  }
0x1ab: {  	[sflag:s23] =	ssyncset.done $0x0  }
0x1ac: {  	s8 =	simm.s32 $0x7700;
	[sflag:s23] =	ssyncadd.s32 $0xFFFFE400  }
0x1ad: {  	v5 =	vld [tilespmem:s8+$0xFFFFFF00]  }
0x1ae: {  	v6 =	vld [tilespmem:s8+$0xFFFFFF10]  }
0x1af: {  	s18 =	simm.s32 $0x1;
	v3 =	vld.idx.msk [tilespmem:v1+s11+$0x0], $0xffff  }
0x1b0: {  	v4 =	vmov s18;
	v1 =	vld.idx.msk [tilespmem:v2+s11+$0x0], $0xffff  }
0x1b1: {  	v2 =	vand.u32 $0x7D, v4;
	v4 =	vld [tilespmem:s8+$0xF0]  }
0x1b2: {  	v7 =	vld [tilespmem:s8+$0xFFFFFF20];
	v2 =	vor.u32 $0x100, v2  }
0x1b3: {  	v8 =	vld [tilespmem:s8+$0xFFFFFF30];
	v2 =	vbroadcast v2, $0x0  }
0x1b4: {  	v9 =	vld [tilespmem:s8+$0xFFFFFF40]  }
0x1b5: {  	v10 =	vld [tilespmem:s8+$0xFFFFFF50];
	v5 =	vmul.f32 v3, v5  }
0x1b6: {  	v11 =	vld [tilespmem:s8+$0xFFFFFF60];
	v4 =	vmul.f32 v1, v4  }
0x1b7: {  	[tilespmem:s8+$0xFFFFFF00] =	vst v5;
	v5 =	vld [tilespmem:s8+$0xFFFFFF70]  }
0x1b8: {  	s18 =	simm.s32 $0x2;
	v6 =	vmul.f32 v3, v6;
	[tilespmem:s8+$0xF0] =	vst v4;
	v4 =	vmul.f32 v3, v7;
	v7 =	vld [tilespmem:s8+$0xFFFFFF90]  }
0x1b9: {  	v12 =	vmov s18;
	v13 =	vld.idx.msk [tilespmem:v2+s11+$0x0], $0xffff  }
0x1ba: {  	[tilespmem:s8+$0xFFFFFF10] =	vst v6;
	v6 =	vmul.f32 v3, v8;
	v2 =	vand.u32 $0x7E, v12;
	v12 =	vld [tilespmem:s8+$0xFFFFFF80]  }
0x1bb: {  	v11 =	vmul.f32 v3, v11;
	v8 =	vld [tilespmem:s8+$0xFFFFFFA0];
	v2 =	vor.u32 $0x100, v2;
	[tilespmem:s8+$0xFFFFFF20] =	vst v4;
	v4 =	vmul.f32 v3, v9  }
0x1bc: {  	v9 =	vld [tilespmem:s8+$0xFFFFFFB0];
	[tilespmem:s8+$0xFFFFFF30] =	vst v6;
	v6 =	vmul.f32 v3, v10;
	v2 =	vbroadcast v2, $0x0  }
0x1bd: {  	[tilespmem:s8+$0xFFFFFF60] =	vst v11;
	v10 =	vld [tilespmem:s8+$0xFFFFFFC0]  }
0x1be: {  	[tilespmem:s8+$0xFFFFFF50] =	vst v6;
	v6 =	vld [tilespmem:s8+$0xFFFFFFE0];
	v3 =	vmul.f32 v3, v5  }
0x1bf: {  	[tilespmem:s8+$0xFFFFFF40] =	vst v4;
	v5 =	vld [tilespmem:s8+$0xFFFFFFF0];
	v4 =	vmul.f32 v13, v12  }
0x1c0: {  	v12 =	vld [tilespmem:s8+$0xFFFFFFD0];
	[tilespmem:s8+$0xFFFFFF70] =	vst v3;
	v3 =	vmul.f32 v13, v8  }
0x1c1: {  	[tilespmem:s8+$0xFFFFFF80] =	vst v4;
	v4 =	vmul.f32 v13, v7;
	v7 =	vld [tilespmem:s8+$0x0]  }
0x1c2: {  	v2 =	vld.idx.msk [tilespmem:v2+s11+$0x0], $0xffff;
	[tilespmem:s8+$0xFFFFFFA0] =	vst v3;
	v3 =	vmul.f32 v13, v10  }
0x1c3: {  	v8 =	vld [tilespmem:s8+$0x10];
	[tilespmem:s8+$0xFFFFFF90] =	vst v4;
	v4 =	vmul.f32 v13, v9  }
0x1c4: {  	s18 =	simm.s32 $0x4;
	v6 =	vmul.f32 v13, v6;
	v9 =	vld [tilespmem:s8+$0x20];
	[tilespmem:s8+$0xFFFFFFC0] =	vst v3  }
0x1c5: {  	v11 =	vmov s18;
	v10 =	vld [tilespmem:s8+$0x30];
	[tilespmem:s8+$0xFFFFFFB0] =	vst v4;
	v4 =	vmul.f32 v13, v12  }
0x1c6: {  	v11 =	vand.u32 $0x7C, v11;
	v3 =	vld [tilespmem:s8+$0x40];
	[tilespmem:s8+$0xFFFFFFE0] =	vst v6;
	v12 =	vmul.f32 v13, v5  }
0x1c7: {  	s18 =	simm.s32 $0x5;
	v6 =	vor.u32 $0x100, v11;
	[tilespmem:s8+$0xFFFFFFD0] =	vst v4;
	v7 =	vmul.f32 v2, v7;
	v4 =	vld [tilespmem:s8+$0x50]  }
0x1c8: {  	v13 =	vmov s18;
	s18 =	simm.s32 $0x6;
	v5 =	vld [tilespmem:s8+$0x60];
	v6 =	vbroadcast v6, $0x0;
	v8 =	vmul.f32 v2, v8;
	[tilespmem:s8+$0xFFFFFFF0] =	vst v12  }
0x1c9: {  	v11 =	vmov s18;
	v12 =	vand.u32 $0x7D, v13;
	v9 =	vmul.f32 v2, v9;
	[tilespmem:s8+$0x0] =	vst v7;
	v7 =	vld [tilespmem:s8+$0x70]  }
0x1ca: {  	s29 =	simm.s32 $0x7;
	s13 =	simm.s32 $0x7700;
	s18 =	simm.s32 $0x8;
	v11 =	vand.u32 $0x7E, v11;
	v10 =	vmul.f32 v2, v10;
	v12 =	vor.u32 $0x100, v12;
	[tilespmem:s8+$0x10] =	vst v8;
	v8 =	vld [tilespmem:s8+$0x80]  }
.LBB2_9:
0x1cb: {  	p2 =	slt.u32 s18, $0x6C;
	v11 =	vor.u32 $0x100, v11;
	v13 =	vmov s29;
	[tilespmem:s8+$0x20] =	vst v9;
	v3 =	vmul.f32 v2, v3;
	v9 =	vld [tilespmem:s8+$0x90]  }
0x1cc: {  	v12 =	vbroadcast v12, $0x0;
	v13 =	vand.u32 $0x7F, v13;
	[tilespmem:s8+$0x30] =	vst v10;
	v4 =	vmul.f32 v2, v4;
	v10 =	vld [tilespmem:s8+$0xA0]  }
0x1cd: {  	v11 =	vbroadcast v11, $0x0;
	v13 =	vor.u32 $0x100, v13;
	[tilespmem:s8+$0x40] =	vst v3;
	v3 =	vmul.f32 v2, v5;
	v5 =	vld [tilespmem:s8+$0xB0]  }
0x1ce: {  	v13 =	vbroadcast v13, $0x0;
	[tilespmem:s8+$0x50] =	vst v4;
	v2 =	vmul.f32 v2, v7;
	v4 =	vld [tilespmem:s8+$0xC0]  }
0x1cf: {  	[tilespmem:s8+$0x60] =	vst v3;
	v3 =	vmul.f32 v1, v8;
	v7 =	vld [tilespmem:s8+$0xD0]  }
0x1d0: {  	[tilespmem:s8+$0x70] =	vst v2;
	v2 =	vmul.f32 v1, v9;
	v8 =	vld [tilespmem:s8+$0xE0]  }
0x1d1: {  	v6 =	vld.idx.msk [tilespmem:v6+s11+$0x0], $0xffff;
	[tilespmem:s8+$0x80] =	vst v3;
	v3 =	vmul.f32 v1, v10  }
0x1d2: {  	v9 =	vld.idx.msk [tilespmem:v12+s11+$0x0], $0xffff;
	[tilespmem:s8+$0x90] =	vst v2;
	v5 =	vmul.f32 v1, v5  }
0x1d3: {  	v2 =	vld.idx.msk [tilespmem:v11+s11+$0x0], $0xffff;
	[tilespmem:s8+$0xA0] =	vst v3;
	v3 =	vmul.f32 v1, v4  }
0x1d4: {  	s8 =	sadd.s32 $0x200, s8;
	v4 =	vld.idx.msk [tilespmem:v13+s11+$0x0], $0xffff;
	[tilespmem:s13+$0xB0] =	vst v5;
	v5 =	vmul.f32 v1, v7  }
0x1d5: {  	v7 =	vld [tilespmem:s8+$0xF0];
	[tilespmem:s13+$0xC0] =	vst v3;
	v1 =	vmul.f32 v1, v8  }
0x1d6: {  	v3 =	vld [tilespmem:s8+$0xFFFFFF00];
	[tilespmem:s13+$0xD0] =	vst v5  }
0x1d7: {  	v5 =	vld [tilespmem:s8+$0xFFFFFF10];
	[tilespmem:s13+$0xE0] =	vst v1;
	s13 =	smov.u32 s8  }
0x1d8: {  	v8 =	vld [tilespmem:s8+$0xFFFFFF20]  }
0x1d9: {  	v10 =	vld [tilespmem:s8+$0xFFFFFF30]  }
0x1da: {  	v1 =	vmov v4;
	v11 =	vld [tilespmem:s8+$0xFFFFFF40];
	v7 =	vmul.f32 v4, v7  }
0x1db: {  	v3 =	vmul.f32 v6, v3;
	v4 =	vld [tilespmem:s8+$0xFFFFFF50]  }
0x1dc: {  	v5 =	vmul.f32 v6, v5;
	v12 =	vld [tilespmem:s8+$0xFFFFFF60];
	[tilespmem:s8+$0xF0] =	vst v7  }
0x1dd: {  	[tilespmem:s8+$0xFFFFFF00] =	vst v3;
	v3 =	vmul.f32 v6, v8;
	v7 =	vld [tilespmem:s8+$0xFFFFFF70]  }
0x1de: {  	[tilespmem:s8+$0xFFFFFF10] =	vst v5;
	v5 =	vmul.f32 v6, v10;
	v8 =	vld [tilespmem:s8+$0xFFFFFF80]  }
0x1df: {  	[tilespmem:s8+$0xFFFFFF20] =	vst v3;
	v3 =	vmul.f32 v6, v11;
	v10 =	vld [tilespmem:s8+$0xFFFFFF90]  }
0x1e0: {  	[tilespmem:s8+$0xFFFFFF30] =	vst v5;
	v4 =	vmul.f32 v6, v4;
	v5 =	vld [tilespmem:s8+$0xFFFFFFA0]  }
0x1e1: {  	[tilespmem:s8+$0xFFFFFF40] =	vst v3;
	v3 =	vmul.f32 v6, v12;
	v11 =	vld [tilespmem:s8+$0xFFFFFFB0]  }
0x1e2: {  	[tilespmem:s8+$0xFFFFFF50] =	vst v4;
	v4 =	vmul.f32 v6, v7;
	v6 =	vld [tilespmem:s8+$0xFFFFFFC0]  }
0x1e3: {  	[tilespmem:s8+$0xFFFFFF60] =	vst v3;
	v3 =	vmul.f32 v9, v8;
	v7 =	vld [tilespmem:s8+$0xFFFFFFD0]  }
0x1e4: {  	[tilespmem:s8+$0xFFFFFF70] =	vst v4;
	v4 =	vmul.f32 v9, v10;
	v8 =	vld [tilespmem:s8+$0xFFFFFFE0]  }
0x1e5: {  	[tilespmem:s8+$0xFFFFFF80] =	vst v3;
	v3 =	vmul.f32 v9, v5;
	v5 =	vld [tilespmem:s8+$0xFFFFFFF0]  }
0x1e6: {  	[tilespmem:s8+$0xFFFFFF90] =	vst v4;
	v4 =	vmul.f32 v9, v11;
	v10 =	vld [tilespmem:s8+$0x0]  }
0x1e7: {  	[tilespmem:s8+$0xFFFFFFA0] =	vst v3;
	v3 =	vmul.f32 v9, v6;
	v6 =	vld [tilespmem:s8+$0x10]  }
0x1e8: {  	[tilespmem:s8+$0xFFFFFFB0] =	vst v4;
	v4 =	vmul.f32 v9, v7;
	v7 =	vld [tilespmem:s8+$0x20]  }
0x1e9: {  	[tilespmem:s8+$0xFFFFFFC0] =	vst v3;
	v8 =	vmul.f32 v9, v8;
	v13 =	vld [tilespmem:s8+$0x30]  }
.Ltmp5:
0x1ea: {  	s29 =	sadd.s32 $0x1, s18;
	v11 =	vmov s18;
	[tilespmem:s8+$0xFFFFFFD0] =	vst v4;
	v5 =	vmul.f32 v9, v5;
	v3 =	vld [tilespmem:s8+$0x40];
	(pc) =	sbr.rel @p2 .LBB2_9-.Ltmp5, $4  }
0x1eb: {  	v9 =	vand.u32 $0x7C, v11;
	v11 =	vmov s29;
	s29 =	sadd.s32 $0x2, s18;
	[tilespmem:s8+$0xFFFFFFE0] =	vst v8;
	v8 =	vmul.f32 v2, v10;
	v4 =	vld [tilespmem:s8+$0x50]  }
0x1ec: {  	v10 =	vor.u32 $0x100, v9;
	v9 =	vmov s29;
	[tilespmem:s8+$0xFFFFFFF0] =	vst v5;
	v14 =	vmul.f32 v2, v6;
	v5 =	vld [tilespmem:s8+$0x60]  }
0x1ed: {  	v12 =	vand.u32 $0x7D, v11;
	v11 =	vand.u32 $0x7E, v9;
	[tilespmem:s8+$0x0] =	vst v8;
	v9 =	vmul.f32 v2, v7;
	v7 =	vld [tilespmem:s8+$0x70]  }
0x1ee: {  	s29 =	sadd.s32 $0x3, s18;
	s18 =	sadd.s32 $0x4, s18;
	v6 =	vbroadcast v10, $0x0;
	v12 =	vor.u32 $0x100, v12;
	[tilespmem:s8+$0x10] =	vst v14;
	v10 =	vmul.f32 v2, v13;
	v8 =	vld [tilespmem:s8+$0x80]  }
0x1ef: {  	v14 =	vld [tilespmem:s8+$0x90]  }
0x1f0: {  	v15 =	vld [tilespmem:s8+$0xA0]  }
0x1f1: {  	v16 =	vld [tilespmem:s8+$0xB0]  }
0x1f2: {  	v17 =	vld [tilespmem:s8+$0xC0];
	v3 =	vmul.f32 v2, v3  }
0x1f3: {  	v13 =	vmov s29;
	[tilespmem:s8+$0x20] =	vst v9;
	v32 =	vld [tilespmem:s8+$0xD0]  }
0x1f4: {  	v33 =	vld [tilespmem:s8+$0xE0];
	v13 =	vand.u32 $0x7F, v13;
	[tilespmem:s8+$0x40] =	vst v3;
	v3 =	vmul.f32 v2, v5  }
0x1f5: {  	s18 =	sadd.s32 $0x200, s8;
	[tilespmem:s8+$0x30] =	vst v10;
	v4 =	vmul.f32 v2, v4;
	v34 =	vld.idx.msk [tilespmem:v6+s11+$0x0], $0xffff;
	v13 =	vor.u32 $0x100, v13;
	v2 =	vmul.f32 v2, v7  }
0x1f6: {  	v38 =	vld [tilespmem:s18+$0xF0];
	v13 =	vbroadcast v13, $0x0;
	[tilespmem:s8+$0x60] =	vst v3;
	v3 =	vmul.f32 v1, v8  }
0x1f7: {  	v39 =	vld [tilespmem:s18+$0xFFFFFF00];
	[tilespmem:s8+$0x70] =	vst v2;
	v2 =	vmul.f32 v1, v14  }
0x1f8: {  	v40 =	vld [tilespmem:s18+$0xFFFFFF10];
	[tilespmem:s8+$0x80] =	vst v3;
	v3 =	vmul.f32 v1, v15  }
0x1f9: {  	v41 =	vld [tilespmem:s18+$0xFFFFFF20];
	[tilespmem:s8+$0x90] =	vst v2;
	v2 =	vmul.f32 v1, v16  }
0x1fa: {  	v42 =	vld [tilespmem:s18+$0xFFFFFF50];
	[tilespmem:s8+$0xA0] =	vst v3;
	v3 =	vmul.f32 v1, v17  }
0x1fb: {  	v44 =	vld [tilespmem:s18+$0xFFFFFF60];
	[tilespmem:s13+$0xB0] =	vst v2;
	v2 =	vmul.f32 v1, v32  }
0x1fc: {  	v12 =	vbroadcast v12, $0x0;
	v37 =	vld.idx.msk [tilespmem:v13+s11+$0x0], $0xffff;
	v1 =	vmul.f32 v1, v33;
	[tilespmem:s13+$0xC0] =	vst v3  }
0x1fd: {  	v3 =	vld [tilespmem:s18+$0xFFFFFF30];
	[tilespmem:s13+$0xD0] =	vst v2  }
0x1fe: {  	v2 =	vld [tilespmem:s18+$0xFFFFFF40];
	[tilespmem:s13+$0xE0] =	vst v1;
	v1 =	vmul.f32 v34, v39  }
0x1ff: {  	v45 =	vld [tilespmem:s18+$0xFFFFFF70];
	[tilespmem:s8+$0x50] =	vst v4;
	v43 =	vmul.f32 v34, v40  }
0x200: {  	v46 =	vld [tilespmem:s18+$0xFFFFFF80];
	[tilespmem:s18+$0xFFFFFF00] =	vst v1;
	v1 =	vmul.f32 v34, v41  }
0x201: {  	v47 =	vld [tilespmem:s18+$0xFFFFFFA0];
	[tilespmem:s18+$0xFFFFFF10] =	vst v43;
	v8 =	vmul.f32 v37, v38  }
0x202: {  	v35 =	vld.idx.msk [tilespmem:v12+s11+$0x0], $0xffff;
	v3 =	vmul.f32 v34, v3;
	[tilespmem:s18+$0xFFFFFF20] =	vst v1  }
0x203: {  	v11 =	vor.u32 $0x100, v11;
	[tilespmem:s18+$0xF0] =	vst v8;
	v1 =	vmul.f32 v34, v2;
	v2 =	vld [tilespmem:s18+$0xFFFFFF90]  }
0x204: {  	v11 =	vbroadcast v11, $0x0;
	v48 =	vld [tilespmem:s18+$0xFFFFFFB0];
	[tilespmem:s18+$0xFFFFFF30] =	vst v3;
	v3 =	vmul.f32 v34, v42  }
0x205: {  	v49 =	vld [tilespmem:s18+$0xFFFFFFC0];
	[tilespmem:s18+$0xFFFFFF40] =	vst v1;
	v1 =	vmul.f32 v34, v44  }
0x206: {  	v50 =	vld [tilespmem:s18+$0xFFFFFFD0];
	[tilespmem:s18+$0xFFFFFF50] =	vst v3;
	v3 =	vmul.f32 v34, v45  }
0x207: {  	v51 =	vld [tilespmem:s18+$0xFFFFFFF0];
	[tilespmem:s18+$0xFFFFFF60] =	vst v1;
	v1 =	vmul.f32 v35, v46  }
0x208: {  	[tilespmem:s18+$0xFFFFFF70] =	vst v3;
	v2 =	vmul.f32 v35, v2;
	v3 =	vld [tilespmem:s18+$0xFFFFFFE0]  }
0x209: {  	v52 =	vld [tilespmem:s18+$0x0];
	[tilespmem:s18+$0xFFFFFF80] =	vst v1;
	v1 =	vmul.f32 v35, v47  }
0x20a: {  	v36 =	vld.idx.msk [tilespmem:v11+s11+$0x0], $0xffff;
	[tilespmem:s18+$0xFFFFFF90] =	vst v2;
	v2 =	vmul.f32 v35, v48  }
0x20b: {  	v53 =	vld [tilespmem:s18+$0x10];
	[tilespmem:s18+$0xFFFFFFA0] =	vst v1;
	v1 =	vmul.f32 v35, v49  }
0x20c: {  	v54 =	vld [tilespmem:s18+$0x20];
	[tilespmem:s18+$0xFFFFFFB0] =	vst v2;
	v2 =	vmul.f32 v35, v50  }
0x20d: {  	[tilespmem:s18+$0xFFFFFFC0] =	vst v1;
	v1 =	vmul.f32 v35, v3;
	v3 =	vld [tilespmem:s18+$0x30]  }
0x20e: {  	v55 =	vld [tilespmem:s18+$0x40];
	[tilespmem:s18+$0xFFFFFFD0] =	vst v2;
	v2 =	vmul.f32 v35, v51  }
0x20f: {  	v56 =	vld [tilespmem:s18+$0x50];
	[tilespmem:s18+$0xFFFFFFE0] =	vst v1;
	v1 =	vmul.f32 v36, v52  }
0x210: {  	v57 =	vld [tilespmem:s18+$0x60];
	[tilespmem:s18+$0xFFFFFFF0] =	vst v2;
	v2 =	vmul.f32 v36, v53  }
0x211: {  	v58 =	vld [tilespmem:s18+$0x70];
	[tilespmem:s18+$0x0] =	vst v1;
	v1 =	vmul.f32 v36, v54  }
0x212: {  	[tilespmem:s18+$0x10] =	vst v2;
	v2 =	vmul.f32 v36, v3;
	v3 =	vld [tilespmem:s18+$0x80]  }
0x213: {  	v59 =	vld [tilespmem:s18+$0x90];
	[tilespmem:s18+$0x20] =	vst v1;
	v1 =	vmul.f32 v36, v55  }
0x214: {  	v60 =	vld [tilespmem:s18+$0xA0];
	[tilespmem:s18+$0x30] =	vst v2;
	v2 =	vmul.f32 v36, v56  }
0x215: {  	v61 =	vld [tilespmem:s18+$0xB0];
	[tilespmem:s18+$0x40] =	vst v1;
	v1 =	vmul.f32 v36, v57  }
0x216: {  	v62 =	vld [tilespmem:s18+$0xC0];
	[tilespmem:s18+$0x50] =	vst v2;
	v2 =	vmul.f32 v36, v58  }
0x217: {  	[tilespmem:s18+$0x60] =	vst v1;
	v1 =	vmul.f32 v37, v3;
	v3 =	vld [tilespmem:s18+$0xD0]  }
0x218: {  	v63 =	vld [tilespmem:s18+$0xE0];
	[tilespmem:s18+$0x70] =	vst v2;
	v2 =	vmul.f32 v37, v59  }
0x219: {  	[tilespmem:s18+$0x80] =	vst v1;
	v1 =	vmul.f32 v37, v60  }
0x21a: {  	[tilespmem:s18+$0x90] =	vst v2;
	v2 =	vmul.f32 v37, v61  }
0x21b: {  	[tilespmem:s18+$0xA0] =	vst v1;
	v1 =	vmul.f32 v37, v62  }
0x21c: {  	[tilespmem:s18+$0xB0] =	vst v2;
	v2 =	vmul.f32 v37, v3  }
0x21d: {  	[tilespmem:s18+$0xC0] =	vst v1;
	v1 =	vmul.f32 v37, v63  }
.Ltmp6:
0x21e: {  	[tilespmem:s18+$0xD0] =	vst v2;
	(pc) =	sbr.rel @p1 .LBB2_12-.Ltmp6, $4  }
0x21f: {  	[tilespmem:s18+$0xE0] =	vst v1  }
0x220: {  	_ =	swait.ge [sflag:s24], $0x3800  }
0x221: {  	[sflag:s24] =	ssyncset.done $0x0  }
0x222: {  	[sflag:s24] =	ssyncadd.s32 $0xFFFFC800  }
.Ltmp7:
0x223: {  	(pc) =	sbr.rel .LBB2_4-.Ltmp7, $4  }
0x224: {  	s7 =	sadd.s32 s7, s17  }
0x225: {  	[tilespmem:s28], [sflag:$0x2] =	stream.linear.gather [hbm4b:s7+s4], $0x180, $0x38;
	[tilespmem:$0x1E680] =	vst v63  }
0x226: {  	s6 =	sadd.s32 $0x1, s6  }
0x227: {  	[spmem:s3] =	stream.indirect.scatter.add.f32 [tilespmem:s1], [sflag:$0xC], $0x80, s25, s12, $0xb8;
	[tilespmem:$0x1E680] =	vst v63  }
.LBB2_13:
0x228: {  	_ =	sfence.sel $0x180000  }
0x229: {  	[bflag:$0x0] =	sbarrier.arrive $0xFFFF  }
0x22a: {  	_ =	strace $0x90000047  }
0x22b: {  	s0 =	stileid.u32;
	[bflag:$0x2] =	sbarrier.arrive $0xFFFF  }
0x22c: {  	p0 =	sne.s32 s0, $0x0;
	s0 =	rddreg [dreg:$0x3]  }
0x22d: {  	s0 =	sadd.s32 @!p0 $0x100000, s0  }
0x22e: {  	[sflag:s0] =	ssyncadd.tile.s32 @!p0 $0x1;
	_ =	shalt  }
.Lfunc_end2:
_tile_overlayer_lowered:
.L_overlay_start_2:
0x22f: {  	(tag) =	ssettag $0x2  }
0x230: {  	s0 =	rddreg [dreg:$0x0];
	s2 =	stileid.u32  }
0x231: {  	s1 =	rddreg [dreg:$0x1];
	p0 =	sne.s32 s2, $0x0  }
0x232: {  	s3 =	rddreg [dreg:$0x2];
	[bflag:$0x3] =	sbarrier.arrive $0xFFFF;
	s2 =	simm.s32 @!p0 $0x1C0D  }
0x233: {  	[timem:s3], [sflag:s2] =	dma.local @!p0 [hbm:s0], s1  }
0x234: {  	s0 =	simm.s32 @!p0 $0xD  }
0x235: {  	_ =	swait.ge @!p0 [sflag:s0], s1  }
0x236: {  	s1 =	ssub.s32 @!p0 $0x0, s1;
	[sflag:s0] =	ssyncset.done @!p0 $0x0  }
0x237: {  	[sflag:s0] =	ssyncadd.s32 @!p0 s1  }
0x238: {  	[bflag:$0x3] =	sbarrier.arrive $0xFFFF  }
0x239: {  	_ =	shalt  }

</sc_bundles>
